<compile_context>
chip_gen: v7x
topology: tpu7x:2x2x1
jax: 0.10.2.dev20260603
libtpu: 0.0.44.dev20260713+nightly
codegen_flags: <defaults>
</compile_context>

<pallas_src>
import dataclasses
import functools

import jax
import jax.numpy as jnp
from jax import lax
from jax.experimental import pallas as pl
from jax.experimental.pallas import tpu as pltpu
from jax.experimental.pallas import tpu_sc as plsc

N = 10000
K = 16
D = 256
OUT = 512

NW = 32
PT = 320
NPAD = NW * PT
CH = 8
NCH = PT // CH
ROWS = CH * K
NBUF = 2
LB = 32


D2 = D // 2
L = 16


def _sc_neigh_sum(xi, neigh_chunked):
    mesh = plsc.VectorSubcoreMesh(core_axis_name="c", subcore_axis_name="s")
    cp = pltpu.CompilerParams()
    if "needs_layout_passes" in pltpu.CompilerParams.__dataclass_fields__:
        cp = dataclasses.replace(cp, needs_layout_passes=False)

    @functools.partial(
        pl.kernel,
        out_type=jax.ShapeDtypeStruct((NPAD, D2), jnp.int32),
        mesh=mesh,
        compiler_params=cp,
        scratch_types=[
            pltpu.VMEM((NCH, ROWS), jnp.int32),
            pltpu.VMEM((NBUF, ROWS, D2), jnp.int32),
            pltpu.VMEM((NBUF, CH, D2), jnp.int32),
            pltpu.VMEM_SHARED((NPAD, D2), jnp.int32),
        ] + [pltpu.SemaphoreType.DMA] * (2 * NBUF),
    )
    def sc_kernel(x_hbm, idx_hbm, out_hbm, idx_v, rows_v, acc_v, xs, *sems):
        osems = sems[NBUF:]
        sid = lax.axis_index("s")
        wid = sid * 2 + lax.axis_index("c")
        nbase = wid * PT

        pltpu.sync_copy(x_hbm.at[pl.ds(sid * (NPAD // 16), NPAD // 16)],
                        xs.at[pl.ds(sid * (NPAD // 16), NPAD // 16)])
        pltpu.sync_copy(idx_hbm.at[wid], idx_v)
        plsc.subcore_barrier()

        def start_gather(cc, buf):
            return pltpu.async_copy(
                xs.at[idx_v.at[cc]], rows_v.at[buf], sems[buf])

        def wait_gather(cc, buf):
            pltpu.make_async_copy(
                xs.at[idx_v.at[cc]], rows_v.at[buf], sems[buf]).wait()

        def start_out(cc, buf):
            return pltpu.async_copy(
                acc_v.at[buf], out_hbm.at[pl.ds(nbase + cc * CH, CH)],
                osems[buf])

        def wait_out(cc, buf):
            pltpu.make_async_copy(
                acc_v.at[buf], out_hbm.at[pl.ds(nbase + cc * CH, CH)],
                osems[buf]).wait()

        for b in range(NBUF):
            start_gather(b, b)

        @pl.loop(0, NCH, step=NBUF)
        def _(c):
            for buf in range(NBUF):
                cc = c + buf
                wait_gather(cc, buf)

                @pl.when(cc >= NBUF)
                def _():
                    wait_out(cc - NBUF, buf)

                @pl.loop(0, CH)
                def _(n):
                    r0 = n * K

                    @pl.loop(0, D2, step=L)
                    def _(dd):
                        v = [plsc.bitcast(rows_v[buf, r0 + k, pl.ds(dd, L)],
                                          jnp.bfloat16)
                             for k in range(K)]
                        while len(v) > 1:
                            v = [v[2 * i] + v[2 * i + 1]
                                 for i in range(len(v) // 2)]
                        acc_v[buf, n, pl.ds(dd, L)] = plsc.bitcast(v[0], jnp.int32)

                start_out(cc, buf)

                @pl.when(cc + NBUF < NCH)
                def _():
                    start_gather(cc + NBUF, buf)

        for b in range(NBUF):
            wait_out(NCH - NBUF + b, b)

    return sc_kernel(xi, neigh_chunked)


BN = 1000


def _tc_body(x_ref, s_ref, w_ref, b_ref, o_ref):
    acc = lax.dot_general(
        x_ref[...], w_ref[:, :D], (((1,), (1,)), ((), ())),
        preferred_element_type=jnp.float32,
        precision=lax.Precision.DEFAULT)
    acc2 = lax.dot_general(
        s_ref[...].astype(jnp.float32), w_ref[:, D:], (((1,), (1,)), ((), ())),
        preferred_element_type=jnp.float32,
        precision=lax.Precision.DEFAULT)
    acc = acc + acc2 * (1.0 / K) + b_ref[...]
    o_ref[...] = jnp.maximum(acc, 0.0)


def _tc_linear(x, s, W, b2d):
    return pl.pallas_call(
        _tc_body,
        grid=(N // BN,),
        in_specs=[
            pl.BlockSpec((BN, D), lambda i: (i, 0)),
            pl.BlockSpec((BN, D), lambda i: (i, 0)),
            pl.BlockSpec((OUT, 2 * D), lambda i: (0, 0)),
            pl.BlockSpec((1, OUT), lambda i: (0, 0)),
        ],
        out_specs=pl.BlockSpec((BN, OUT), lambda i: (i, 0)),
        out_shape=jax.ShapeDtypeStruct((N, OUT), jnp.float32),
    )(x, s, W, b2d)


def kernel(x, neigh, W, b):
    xb = jnp.pad(x.astype(jnp.bfloat16), ((0, NPAD - N), (0, 0)))
    xi = lax.bitcast_convert_type(xb.reshape(NPAD, D2, 2), jnp.int32)
    neigh_chunked = jnp.pad(neigh, ((0, NPAD - N), (0, 0))).reshape(NW, NCH, ROWS)
    s_i32 = _sc_neigh_sum(xi, neigh_chunked)
    s = lax.bitcast_convert_type(s_i32, jnp.bfloat16).reshape(NPAD, D)[:N]
    return _tc_linear(x, s, W, b.reshape(1, OUT))

# --- scband reference (transcript-rebuilt; emitter-appended) ---
"""Pipeline reference for scband-graph-sagelayer-20444044329486 (READ-ONLY COPY).

The authoritative reference and input builder live on the scoring server;
editing this copy changes nothing except your own understanding.
"""

import jax, jax.numpy as jnp
import numpy as np

N = 10000
K = 16
D = 256
OUT = 512


def setup_inputs(seed: int = 0) -> dict:
    key = jax.random.key(seed)
    k1, k2, k3, k4 = jax.random.split(key, 4)
    x = jax.random.normal(k1, (N, D), dtype=jnp.float32)
    neigh = jax.random.randint(k2, (N, K), 0, N, dtype=jnp.int32)
    # nn.Linear(in_dim*2, out_dim): weight [OUT, 2D], bias [OUT]
    bound = 1.0 / np.sqrt(2 * D)
    W = jax.random.uniform(k3, (OUT, 2 * D), dtype=jnp.float32, minval=-bound, maxval=bound)
    b = jax.random.uniform(k4, (OUT,), dtype=jnp.float32, minval=-bound, maxval=bound)
    return {"x": x, "neigh": neigh, "W": W, "b": b}


def reference(x, neigh, W, b):
    # mean aggregation over fixed-width neighbor lists (every node has K neighbors,
    # so the empty-neighbor zero-vector branch never triggers)
    neigh_feat = jnp.take(x, neigh, axis=0)          # [N, K, D] gather
    neigh_mean = neigh_feat.mean(axis=1)              # [N, D]
    h = jnp.concatenate([x, neigh_mean], axis=1)      # [N, 2D]
    out = h @ W.T + b                                  # [N, OUT]
    return jax.nn.relu(out)

if __name__ == "__main__":
    import jax
    _d = setup_inputs()
    print(jax.jit(kernel)(*tuple(_d.values())))

</pallas_src>

<mosaic_0001>
#map = affine_map<(d0, d1) -> (0, 0)>
#map1 = affine_map<(d0, d1) -> (0, 0, 0)>
module attributes {stable_mosaic.version = 14 : i64} {
  func.func @sc_kernel(%arg0: i32, %arg1: i32, %arg2: memref<10240x128xi32, #tpu.memory_space<hbm>>, %arg3: memref<32x40x128xi32, #tpu.memory_space<hbm>>, %arg4: memref<10240x128xi32, #tpu.memory_space<hbm>>, %arg5: memref<40x128xi32, #tpu.memory_space<vmem>>, %arg6: memref<2x128x128xi32, #tpu.memory_space<vmem>>, %arg7: memref<2x8x128xi32, #tpu.memory_space<vmem>>, %arg8: memref<10240x128xi32, #tpu.memory_space<vmem_shared>>, %arg9: memref<!tpu.dma_semaphore, #tpu.memory_space<semaphore_mem>>, %arg10: memref<!tpu.dma_semaphore, #tpu.memory_space<semaphore_mem>>, %arg11: memref<!tpu.dma_semaphore, #tpu.memory_space<semaphore_mem>>, %arg12: memref<!tpu.dma_semaphore, #tpu.memory_space<semaphore_mem>>) attributes {dimension_semantics = [#tpu.dimension_semantics<core_parallel>, #tpu.dimension_semantics<subcore_parallel>], iteration_bounds = array<i64: 2, 16>, scalar_prefetch = 0 : i64, scratch_operands = 8 : i64, tpu.core_type = #tpu.core_type<sc_vector_subcore>, window_params = [{transform_indices = #map}, {transform_indices = #map1}, {transform_indices = #map}]} {
    %mul3A = arith.constant 2 : i32
    %mul3A_0 = arith.muli %arg1, %mul3A : i32
    %add3A = arith.addi %mul3A_0, %arg0 : i32
    %mul3A_1 = arith.constant 320 : i32
    %mul3A_2 = arith.muli %add3A, %mul3A_1 : i32
    %mul3A_3 = arith.constant 640 : i32
    %mul3A_4 = arith.muli %arg1, %mul3A_3 : i32
    %mul3A_5 = arith.constant 640 : i32
    %mul3A_6 = arith.muli %arg1, %mul3A_5 : i32
    "tpu.region"() ({
      %run_scoped3A = tpu.sem_alloc : memref<!tpu.dma_semaphore, #tpu.memory_space<semaphore_mem>>
      %dma_start3A_63 = arith.constant 0 : i32
      %dma_start3A_64 = tpu.memref_slice %arg8[%mul3A_6, %dma_start3A_63] : memref<10240x128xi32, #tpu.memory_space<vmem_shared>> -> memref<640x128xi32, #tpu.memory_space<vmem_shared>>
      %dma_start3A_65 = arith.constant 0 : i32
      %dma_start3A_66 = tpu.memref_slice %arg2[%mul3A_4, %dma_start3A_65] : memref<10240x128xi32, #tpu.memory_space<hbm>> -> memref<640x128xi32, #tpu.memory_space<hbm>>
      tpu.enqueue_dma source(%dma_start3A_66 : memref<640x128xi32, #tpu.memory_space<hbm>>) target(%dma_start3A_64 : memref<640x128xi32, #tpu.memory_space<vmem_shared>>) target_semaphore(%run_scoped3A : memref<!tpu.dma_semaphore, #tpu.memory_space<semaphore_mem>>)
      %dma_wait3A_67 = arith.constant 0 : i32
      %dma_wait3A_68 = tpu.memref_slice %arg8[%mul3A_6, %dma_wait3A_67] : memref<10240x128xi32, #tpu.memory_space<vmem_shared>> -> memref<640x128xi32, #tpu.memory_space<vmem_shared>>
      %dma_wait3A_69 = arith.constant 0 : i32
      %dma_wait3A_70 = tpu.memref_slice %arg2[%mul3A_4, %dma_wait3A_69] : memref<10240x128xi32, #tpu.memory_space<hbm>> -> memref<640x128xi32, #tpu.memory_space<hbm>>
      tpu.wait_dma2 semaphore(%run_scoped3A : memref<!tpu.dma_semaphore, #tpu.memory_space<semaphore_mem>>) src(%dma_wait3A_70 : memref<640x128xi32, #tpu.memory_space<hbm>>) dst(%dma_wait3A_68 : memref<640x128xi32, #tpu.memory_space<vmem_shared>>)
      tpu.yield
    }) : () -> ()
    "tpu.region"() ({
      %run_scoped3A = tpu.sem_alloc : memref<!tpu.dma_semaphore, #tpu.memory_space<semaphore_mem>>
      %dma_start3A_63 = arith.constant 0 : i32
      %dma_start3A_64 = arith.constant 0 : i32
      %dma_start3A_65 = tpu.memref_slice %arg3[%add3A, %dma_start3A_63, %dma_start3A_64] : memref<32x40x128xi32, #tpu.memory_space<hbm>> -> memref<1x40x128xi32, #tpu.memory_space<hbm>>
      %dma_start3A_66 = tpu.memref_squeeze %dma_start3A_65 : memref<1x40x128xi32, #tpu.memory_space<hbm>> -> memref<40x128xi32, #tpu.memory_space<hbm>>
      %dma_start3A_67 = arith.constant 0 : i32
      %dma_start3A_68 = arith.constant 0 : i32
      %dma_start3A_69 = tpu.memref_slice %arg3[%add3A, %dma_start3A_67, %dma_start3A_68] : memref<32x40x128xi32, #tpu.memory_space<hbm>> -> memref<1x40x128xi32, #tpu.memory_space<hbm>>
      %dma_start3A_70 = tpu.memref_squeeze %dma_start3A_69 : memref<1x40x128xi32, #tpu.memory_space<hbm>> -> memref<40x128xi32, #tpu.memory_space<hbm>>
      tpu.enqueue_dma source(%dma_start3A_70 : memref<40x128xi32, #tpu.memory_space<hbm>>) target(%arg5 : memref<40x128xi32, #tpu.memory_space<vmem>>) target_semaphore(%run_scoped3A : memref<!tpu.dma_semaphore, #tpu.memory_space<semaphore_mem>>)
      %dma_wait3A_71 = arith.constant 0 : i32
      %dma_wait3A_72 = arith.constant 0 : i32
      %dma_wait3A_73 = tpu.memref_slice %arg3[%add3A, %dma_wait3A_71, %dma_wait3A_72] : memref<32x40x128xi32, #tpu.memory_space<hbm>> -> memref<1x40x128xi32, #tpu.memory_space<hbm>>
      %dma_wait3A_74 = tpu.memref_squeeze %dma_wait3A_73 : memref<1x40x128xi32, #tpu.memory_space<hbm>> -> memref<40x128xi32, #tpu.memory_space<hbm>>
      %dma_wait3A_75 = arith.constant 0 : i32
      %dma_wait3A_76 = arith.constant 0 : i32
      %dma_wait3A_77 = tpu.memref_slice %arg3[%add3A, %dma_wait3A_75, %dma_wait3A_76] : memref<32x40x128xi32, #tpu.memory_space<hbm>> -> memref<1x40x128xi32, #tpu.memory_space<hbm>>
      %dma_wait3A_78 = tpu.memref_squeeze %dma_wait3A_77 : memref<1x40x128xi32, #tpu.memory_space<hbm>> -> memref<40x128xi32, #tpu.memory_space<hbm>>
      tpu.wait_dma2 semaphore(%run_scoped3A : memref<!tpu.dma_semaphore, #tpu.memory_space<semaphore_mem>>) src(%dma_wait3A_78 : memref<40x128xi32, #tpu.memory_space<hbm>>) dst(%arg5 : memref<40x128xi32, #tpu.memory_space<vmem>>)
      tpu.yield
    }) : () -> ()
    %barrier3A = arith.constant 0 : index
    tpu.barrier barrier_id(%barrier3A)
    %dma_start3A = arith.constant 0 : i32
    %dma_start3A_7 = arith.constant 0 : i32
    %dma_start3A_8 = arith.constant 0 : i32
    %dma_start3A_9 = arith.constant 0 : i32
    %dma_start3A_10 = tpu.memref_slice %arg6[%dma_start3A_7, %dma_start3A_8, %dma_start3A_9] : memref<2x128x128xi32, #tpu.memory_space<vmem>> -> memref<1x128x128xi32, #tpu.memory_space<vmem>>
    %dma_start3A_11 = tpu.memref_squeeze %dma_start3A_10 : memref<1x128x128xi32, #tpu.memory_space<vmem>> -> memref<128x128xi32, #tpu.memory_space<vmem>>
    %dma_start3A_12 = arith.constant 0 : i32
    %dma_start3A_13 = tpu.memref_slice %arg5[%dma_start3A, %dma_start3A_12] : memref<40x128xi32, #tpu.memory_space<vmem>> -> memref<1x128xi32, #tpu.memory_space<vmem>>
    %dma_start3A_14 = tpu.memref_squeeze %dma_start3A_13 : memref<1x128xi32, #tpu.memory_space<vmem>> -> memref<128xi32, #tpu.memory_space<vmem>>
    %dma_start3A_15 = arith.constant 0 : i32
    %dma_start3A_16 = arith.constant 0 : i32
    %dma_start3A_17 = tpu.memref_slice %arg8[%dma_start3A_15, %dma_start3A_16] : memref<10240x128xi32, #tpu.memory_space<vmem_shared>> -> memref<10240x128xi32, #tpu.memory_space<vmem_shared>>
    tpu.enqueue_indirect_dma source(%dma_start3A_17 : memref<10240x128xi32, #tpu.memory_space<vmem_shared>>) target(%dma_start3A_11 : memref<128x128xi32, #tpu.memory_space<vmem>>) offsets(%dma_start3A_14 : memref<128xi32, #tpu.memory_space<vmem>>) semaphore(%arg9 : memref<!tpu.dma_semaphore, #tpu.memory_space<semaphore_mem>>)
    %dma_start3A_18 = arith.constant 1 : i32
    %dma_start3A_19 = arith.constant 1 : i32
    %dma_start3A_20 = arith.constant 0 : i32
    %dma_start3A_21 = arith.constant 0 : i32
    %dma_start3A_22 = tpu.memref_slice %arg6[%dma_start3A_19, %dma_start3A_20, %dma_start3A_21] : memref<2x128x128xi32, #tpu.memory_space<vmem>> -> memref<1x128x128xi32, #tpu.memory_space<vmem>>
    %dma_start3A_23 = tpu.memref_squeeze %dma_start3A_22 : memref<1x128x128xi32, #tpu.memory_space<vmem>> -> memref<128x128xi32, #tpu.memory_space<vmem>>
    %dma_start3A_24 = arith.constant 0 : i32
    %dma_start3A_25 = tpu.memref_slice %arg5[%dma_start3A_18, %dma_start3A_24] : memref<40x128xi32, #tpu.memory_space<vmem>> -> memref<1x128xi32, #tpu.memory_space<vmem>>
    %dma_start3A_26 = tpu.memref_squeeze %dma_start3A_25 : memref<1x128xi32, #tpu.memory_space<vmem>> -> memref<128xi32, #tpu.memory_space<vmem>>
    %dma_start3A_27 = arith.constant 0 : i32
    %dma_start3A_28 = arith.constant 0 : i32
    %dma_start3A_29 = tpu.memref_slice %arg8[%dma_start3A_27, %dma_start3A_28] : memref<10240x128xi32, #tpu.memory_space<vmem_shared>> -> memref<10240x128xi32, #tpu.memory_space<vmem_shared>>
    tpu.enqueue_indirect_dma source(%dma_start3A_29 : memref<10240x128xi32, #tpu.memory_space<vmem_shared>>) target(%dma_start3A_23 : memref<128x128xi32, #tpu.memory_space<vmem>>) offsets(%dma_start3A_26 : memref<128xi32, #tpu.memory_space<vmem>>) semaphore(%arg10 : memref<!tpu.dma_semaphore, #tpu.memory_space<semaphore_mem>>)
    %scan3A = arith.constant 0 : i32
    %scan3A_30 = arith.constant 20 : i32
    %scan3A_31 = arith.addi %scan3A, %scan3A_30 : i32
    %scan3A_32 = arith.constant 1 : i32
    scf.for %scan3A_63 = %scan3A to %scan3A_31 step %scan3A_32  : i32 {
      %mul3A_64 = arith.constant 2 : i32
      %mul3A_65 = arith.muli %scan3A_63, %mul3A_64 : i32
      %add3A_66 = arith.constant 0 : i32
      %add3A_67 = arith.addi %add3A_66, %mul3A_65 : i32
      %add3A_68 = arith.constant 0 : i32
      %add3A_69 = arith.addi %add3A_67, %add3A_68 : i32
      %dma_wait3A_70 = arith.constant 0 : i32
      %dma_wait3A_71 = arith.constant 0 : i32
      %dma_wait3A_72 = arith.constant 0 : i32
      %dma_wait3A_73 = tpu.memref_slice %arg6[%dma_wait3A_70, %dma_wait3A_71, %dma_wait3A_72] : memref<2x128x128xi32, #tpu.memory_space<vmem>> -> memref<1x128x128xi32, #tpu.memory_space<vmem>>
      %dma_wait3A_74 = tpu.memref_squeeze %dma_wait3A_73 : memref<1x128x128xi32, #tpu.memory_space<vmem>> -> memref<128x128xi32, #tpu.memory_space<vmem>>
      %dma_wait3A_75 = arith.constant 0 : i32
      %dma_wait3A_76 = tpu.memref_slice %arg5[%add3A_69, %dma_wait3A_75] : memref<40x128xi32, #tpu.memory_space<vmem>> -> memref<1x128xi32, #tpu.memory_space<vmem>>
      %dma_wait3A_77 = tpu.memref_squeeze %dma_wait3A_76 : memref<1x128xi32, #tpu.memory_space<vmem>> -> memref<128xi32, #tpu.memory_space<vmem>>
      %dma_wait3A_78 = arith.constant 0 : i32
      %dma_wait3A_79 = arith.constant 0 : i32
      %dma_wait3A_80 = tpu.memref_slice %arg8[%dma_wait3A_78, %dma_wait3A_79] : memref<10240x128xi32, #tpu.memory_space<vmem_shared>> -> memref<10240x128xi32, #tpu.memory_space<vmem_shared>>
      tpu.wait_indirect_dma semaphore(%arg9 : memref<!tpu.dma_semaphore, #tpu.memory_space<semaphore_mem>>) src(%dma_wait3A_80 : memref<10240x128xi32, #tpu.memory_space<vmem_shared>>) dst(%dma_wait3A_74 : memref<128x128xi32, #tpu.memory_space<vmem>>)
      %ge3A = arith.constant 2 : i32
      %ge3A_81 = arith.cmpi sge, %add3A_69, %ge3A : i32
      %convert_element_type3A = arith.extui %ge3A_81 : i1 to i32
      %cond3A = arith.constant 0 : i32
      %cond3A_82 = arith.cmpi ne, %convert_element_type3A, %cond3A : i32
      scf.if %cond3A_82 {
        %sub3A = arith.constant 2 : i32
        %sub3A_156 = arith.subi %add3A_69, %sub3A : i32
        %mul3A_157 = arith.constant 8 : i32
        %mul3A_158 = arith.muli %sub3A_156, %mul3A_157 : i32
        %add3A_159 = arith.addi %mul3A_2, %mul3A_158 : i32
        %dma_wait3A_160 = arith.constant 0 : i32
        %dma_wait3A_161 = arith.constant 0 : i32
        %dma_wait3A_162 = arith.constant 0 : i32
        %dma_wait3A_163 = tpu.memref_slice %arg7[%dma_wait3A_160, %dma_wait3A_161, %dma_wait3A_162] : memref<2x8x128xi32, #tpu.memory_space<vmem>> -> memref<1x8x128xi32, #tpu.memory_space<vmem>>
        %dma_wait3A_164 = tpu.memref_squeeze %dma_wait3A_163 : memref<1x8x128xi32, #tpu.memory_space<vmem>> -> memref<8x128xi32, #tpu.memory_space<vmem>>
        %dma_wait3A_165 = arith.constant 0 : i32
        %dma_wait3A_166 = tpu.memref_slice %arg4[%add3A_159, %dma_wait3A_165] : memref<10240x128xi32, #tpu.memory_space<hbm>> -> memref<8x128xi32, #tpu.memory_space<hbm>>
        %dma_wait3A_167 = arith.constant 0 : i32
        %dma_wait3A_168 = tpu.memref_slice %arg4[%add3A_159, %dma_wait3A_167] : memref<10240x128xi32, #tpu.memory_space<hbm>> -> memref<8x128xi32, #tpu.memory_space<hbm>>
        %dma_wait3A_169 = arith.constant 0 : i32
        %dma_wait3A_170 = arith.constant 0 : i32
        %dma_wait3A_171 = tpu.memref_slice %arg7[%dma_wait3A_160, %dma_wait3A_169, %dma_wait3A_170] : memref<2x8x128xi32, #tpu.memory_space<vmem>> -> memref<1x8x128xi32, #tpu.memory_space<vmem>>
        %dma_wait3A_172 = tpu.memref_squeeze %dma_wait3A_171 : memref<1x8x128xi32, #tpu.memory_space<vmem>> -> memref<8x128xi32, #tpu.memory_space<vmem>>
        tpu.wait_dma2 semaphore(%arg11 : memref<!tpu.dma_semaphore, #tpu.memory_space<semaphore_mem>>) src(%dma_wait3A_172 : memref<8x128xi32, #tpu.memory_space<vmem>>) dst(%dma_wait3A_168 : memref<8x128xi32, #tpu.memory_space<hbm>>)
      } else {
      }
      %scan3A_83 = arith.constant 0 : i32
      %scan3A_84 = arith.constant 8 : i32
      %scan3A_85 = arith.addi %scan3A_83, %scan3A_84 : i32
      %scan3A_86 = arith.constant 1 : i32
      scf.for %scan3A_156 = %scan3A_83 to %scan3A_85 step %scan3A_86  : i32 {
        %mul3A_157 = arith.constant 1 : i32
        %mul3A_158 = arith.muli %scan3A_156, %mul3A_157 : i32
        %add3A_159 = arith.constant 0 : i32
        %add3A_160 = arith.addi %add3A_159, %mul3A_158 : i32
        %mul3A_161 = arith.constant 16 : i32
        %mul3A_162 = arith.muli %add3A_160, %mul3A_161 : i32
        %scan3A_163 = arith.constant 0 : i32
        %scan3A_164 = arith.constant 8 : i32
        %scan3A_165 = arith.addi %scan3A_163, %scan3A_164 : i32
        %scan3A_166 = arith.constant 1 : i32
        scf.for %scan3A_168 = %scan3A_163 to %scan3A_165 step %scan3A_166  : i32 {
          %mul3A_169 = arith.constant 16 : i32
          %mul3A_170 = arith.muli %scan3A_168, %mul3A_169 : i32
          %add3A_171 = arith.constant 0 : i32
          %add3A_172 = arith.addi %add3A_171, %mul3A_170 : i32
          %add3A_173 = arith.constant 0 : i32
          %add3A_174 = arith.addi %mul3A_162, %add3A_173 : i32
          %get3A = arith.constant 0 : i32
          %get3A_175 = arith.index_cast %get3A : i32 to index
          %get3A_176 = arith.index_cast %add3A_174 : i32 to index
          %get3A_177 = arith.index_cast %add3A_172 : i32 to index
          %get3A_178 = tpu.vector_load %arg6[%get3A_175, %get3A_176, %get3A_177] {strides = array<i32>} : memref<2x128x128xi32, #tpu.memory_space<vmem>>, vector<16xi32>,
          %bitcast3A = vector.bitcast %get3A_178 : vector<16xi32> to vector<32xbf16>
          %add3A_179 = arith.constant 1 : i32
          %add3A_180 = arith.addi %mul3A_162, %add3A_179 : i32
          %get3A_181 = arith.constant 0 : i32
          %get3A_182 = arith.index_cast %get3A_181 : i32 to index
          %get3A_183 = arith.index_cast %add3A_180 : i32 to index
          %get3A_184 = arith.index_cast %add3A_172 : i32 to index
          %get3A_185 = tpu.vector_load %arg6[%get3A_182, %get3A_183, %get3A_184] {strides = array<i32>} : memref<2x128x128xi32, #tpu.memory_space<vmem>>, vector<16xi32>,
          %bitcast3A_186 = vector.bitcast %get3A_185 : vector<16xi32> to vector<32xbf16>
          %add3A_187 = arith.constant 2 : i32
          %add3A_188 = arith.addi %mul3A_162, %add3A_187 : i32
          %get3A_189 = arith.constant 0 : i32
          %get3A_190 = arith.index_cast %get3A_189 : i32 to index
          %get3A_191 = arith.index_cast %add3A_188 : i32 to index
          %get3A_192 = arith.index_cast %add3A_172 : i32 to index
          %get3A_193 = tpu.vector_load %arg6[%get3A_190, %get3A_191, %get3A_192] {strides = array<i32>} : memref<2x128x128xi32, #tpu.memory_space<vmem>>, vector<16xi32>,
          %bitcast3A_194 = vector.bitcast %get3A_193 : vector<16xi32> to vector<32xbf16>
          %add3A_195 = arith.constant 3 : i32
          %add3A_196 = arith.addi %mul3A_162, %add3A_195 : i32
          %get3A_197 = arith.constant 0 : i32
          %get3A_198 = arith.index_cast %get3A_197 : i32 to index
          %get3A_199 = arith.index_cast %add3A_196 : i32 to index
          %get3A_200 = arith.index_cast %add3A_172 : i32 to index
          %get3A_201 = tpu.vector_load %arg6[%get3A_198, %get3A_199, %get3A_200] {strides = array<i32>} : memref<2x128x128xi32, #tpu.memory_space<vmem>>, vector<16xi32>,
          %bitcast3A_202 = vector.bitcast %get3A_201 : vector<16xi32> to vector<32xbf16>
          %add3A_203 = arith.constant 4 : i32
          %add3A_204 = arith.addi %mul3A_162, %add3A_203 : i32
          %get3A_205 = arith.constant 0 : i32
          %get3A_206 = arith.index_cast %get3A_205 : i32 to index
          %get3A_207 = arith.index_cast %add3A_204 : i32 to index
          %get3A_208 = arith.index_cast %add3A_172 : i32 to index
          %get3A_209 = tpu.vector_load %arg6[%get3A_206, %get3A_207, %get3A_208] {strides = array<i32>} : memref<2x128x128xi32, #tpu.memory_space<vmem>>, vector<16xi32>,
          %bitcast3A_210 = vector.bitcast %get3A_209 : vector<16xi32> to vector<32xbf16>
          %add3A_211 = arith.constant 5 : i32
          %add3A_212 = arith.addi %mul3A_162, %add3A_211 : i32
          %get3A_213 = arith.constant 0 : i32
          %get3A_214 = arith.index_cast %get3A_213 : i32 to index
          %get3A_215 = arith.index_cast %add3A_212 : i32 to index
          %get3A_216 = arith.index_cast %add3A_172 : i32 to index
          %get3A_217 = tpu.vector_load %arg6[%get3A_214, %get3A_215, %get3A_216] {strides = array<i32>} : memref<2x128x128xi32, #tpu.memory_space<vmem>>, vector<16xi32>,
          %bitcast3A_218 = vector.bitcast %get3A_217 : vector<16xi32> to vector<32xbf16>
          %add3A_219 = arith.constant 6 : i32
          %add3A_220 = arith.addi %mul3A_162, %add3A_219 : i32
          %get3A_221 = arith.constant 0 : i32
          %get3A_222 = arith.index_cast %get3A_221 : i32 to index
          %get3A_223 = arith.index_cast %add3A_220 : i32 to index
          %get3A_224 = arith.index_cast %add3A_172 : i32 to index
          %get3A_225 = tpu.vector_load %arg6[%get3A_222, %get3A_223, %get3A_224] {strides = array<i32>} : memref<2x128x128xi32, #tpu.memory_space<vmem>>, vector<16xi32>,
          %bitcast3A_226 = vector.bitcast %get3A_225 : vector<16xi32> to vector<32xbf16>
          %add3A_227 = arith.constant 7 : i32
          %add3A_228 = arith.addi %mul3A_162, %add3A_227 : i32
          %get3A_229 = arith.constant 0 : i32
          %get3A_230 = arith.index_cast %get3A_229 : i32 to index
          %get3A_231 = arith.index_cast %add3A_228 : i32 to index
          %get3A_232 = arith.index_cast %add3A_172 : i32 to index
          %get3A_233 = tpu.vector_load %arg6[%get3A_230, %get3A_231, %get3A_232] {strides = array<i32>} : memref<2x128x128xi32, #tpu.memory_space<vmem>>, vector<16xi32>,
          %bitcast3A_234 = vector.bitcast %get3A_233 : vector<16xi32> to vector<32xbf16>
          %add3A_235 = arith.constant 8 : i32
          %add3A_236 = arith.addi %mul3A_162, %add3A_235 : i32
          %get3A_237 = arith.constant 0 : i32
          %get3A_238 = arith.index_cast %get3A_237 : i32 to index
          %get3A_239 = arith.index_cast %add3A_236 : i32 to index
          %get3A_240 = arith.index_cast %add3A_172 : i32 to index
          %get3A_241 = tpu.vector_load %arg6[%get3A_238, %get3A_239, %get3A_240] {strides = array<i32>} : memref<2x128x128xi32, #tpu.memory_space<vmem>>, vector<16xi32>,
          %bitcast3A_242 = vector.bitcast %get3A_241 : vector<16xi32> to vector<32xbf16>
          %add3A_243 = arith.constant 9 : i32
          %add3A_244 = arith.addi %mul3A_162, %add3A_243 : i32
          %get3A_245 = arith.constant 0 : i32
          %get3A_246 = arith.index_cast %get3A_245 : i32 to index
          %get3A_247 = arith.index_cast %add3A_244 : i32 to index
          %get3A_248 = arith.index_cast %add3A_172 : i32 to index
          %get3A_249 = tpu.vector_load %arg6[%get3A_246, %get3A_247, %get3A_248] {strides = array<i32>} : memref<2x128x128xi32, #tpu.memory_space<vmem>>, vector<16xi32>,
          %bitcast3A_250 = vector.bitcast %get3A_249 : vector<16xi32> to vector<32xbf16>
          %add3A_251 = arith.constant 10 : i32
          %add3A_252 = arith.addi %mul3A_162, %add3A_251 : i32
          %get3A_253 = arith.constant 0 : i32
          %get3A_254 = arith.index_cast %get3A_253 : i32 to index
          %get3A_255 = arith.index_cast %add3A_252 : i32 to index
          %get3A_256 = arith.index_cast %add3A_172 : i32 to index
          %get3A_257 = tpu.vector_load %arg6[%get3A_254, %get3A_255, %get3A_256] {strides = array<i32>} : memref<2x128x128xi32, #tpu.memory_space<vmem>>, vector<16xi32>,
          %bitcast3A_258 = vector.bitcast %get3A_257 : vector<16xi32> to vector<32xbf16>
          %add3A_259 = arith.constant 11 : i32
          %add3A_260 = arith.addi %mul3A_162, %add3A_259 : i32
          %get3A_261 = arith.constant 0 : i32
          %get3A_262 = arith.index_cast %get3A_261 : i32 to index
          %get3A_263 = arith.index_cast %add3A_260 : i32 to index
          %get3A_264 = arith.index_cast %add3A_172 : i32 to index
          %get3A_265 = tpu.vector_load %arg6[%get3A_262, %get3A_263, %get3A_264] {strides = array<i32>} : memref<2x128x128xi32, #tpu.memory_space<vmem>>, vector<16xi32>,
          %bitcast3A_266 = vector.bitcast %get3A_265 : vector<16xi32> to vector<32xbf16>
          %add3A_267 = arith.constant 12 : i32
          %add3A_268 = arith.addi %mul3A_162, %add3A_267 : i32
          %get3A_269 = arith.constant 0 : i32
          %get3A_270 = arith.index_cast %get3A_269 : i32 to index
          %get3A_271 = arith.index_cast %add3A_268 : i32 to index
          %get3A_272 = arith.index_cast %add3A_172 : i32 to index
          %get3A_273 = tpu.vector_load %arg6[%get3A_270, %get3A_271, %get3A_272] {strides = array<i32>} : memref<2x128x128xi32, #tpu.memory_space<vmem>>, vector<16xi32>,
          %bitcast3A_274 = vector.bitcast %get3A_273 : vector<16xi32> to vector<32xbf16>
          %add3A_275 = arith.constant 13 : i32
          %add3A_276 = arith.addi %mul3A_162, %add3A_275 : i32
          %get3A_277 = arith.constant 0 : i32
          %get3A_278 = arith.index_cast %get3A_277 : i32 to index
          %get3A_279 = arith.index_cast %add3A_276 : i32 to index
          %get3A_280 = arith.index_cast %add3A_172 : i32 to index
          %get3A_281 = tpu.vector_load %arg6[%get3A_278, %get3A_279, %get3A_280] {strides = array<i32>} : memref<2x128x128xi32, #tpu.memory_space<vmem>>, vector<16xi32>,
          %bitcast3A_282 = vector.bitcast %get3A_281 : vector<16xi32> to vector<32xbf16>
          %add3A_283 = arith.constant 14 : i32
          %add3A_284 = arith.addi %mul3A_162, %add3A_283 : i32
          %get3A_285 = arith.constant 0 : i32
          %get3A_286 = arith.index_cast %get3A_285 : i32 to index
          %get3A_287 = arith.index_cast %add3A_284 : i32 to index
          %get3A_288 = arith.index_cast %add3A_172 : i32 to index
          %get3A_289 = tpu.vector_load %arg6[%get3A_286, %get3A_287, %get3A_288] {strides = array<i32>} : memref<2x128x128xi32, #tpu.memory_space<vmem>>, vector<16xi32>,
          %bitcast3A_290 = vector.bitcast %get3A_289 : vector<16xi32> to vector<32xbf16>
          %add3A_291 = arith.constant 15 : i32
          %add3A_292 = arith.addi %mul3A_162, %add3A_291 : i32
          %get3A_293 = arith.constant 0 : i32
          %get3A_294 = arith.index_cast %get3A_293 : i32 to index
          %get3A_295 = arith.index_cast %add3A_292 : i32 to index
          %get3A_296 = arith.index_cast %add3A_172 : i32 to index
          %get3A_297 = tpu.vector_load %arg6[%get3A_294, %get3A_295, %get3A_296] {strides = array<i32>} : memref<2x128x128xi32, #tpu.memory_space<vmem>>, vector<16xi32>,
          %bitcast3A_298 = vector.bitcast %get3A_297 : vector<16xi32> to vector<32xbf16>
          %add3A_299 = arith.addf %bitcast3A, %bitcast3A_186 : vector<32xbf16>
          %add3A_300 = arith.addf %bitcast3A_194, %bitcast3A_202 : vector<32xbf16>
          %add3A_301 = arith.addf %bitcast3A_210, %bitcast3A_218 : vector<32xbf16>
          %add3A_302 = arith.addf %bitcast3A_226, %bitcast3A_234 : vector<32xbf16>
          %add3A_303 = arith.addf %bitcast3A_242, %bitcast3A_250 : vector<32xbf16>
          %add3A_304 = arith.addf %bitcast3A_258, %bitcast3A_266 : vector<32xbf16>
          %add3A_305 = arith.addf %bitcast3A_274, %bitcast3A_282 : vector<32xbf16>
          %add3A_306 = arith.addf %bitcast3A_290, %bitcast3A_298 : vector<32xbf16>
          %add3A_307 = arith.addf %add3A_299, %add3A_300 : vector<32xbf16>
          %add3A_308 = arith.addf %add3A_301, %add3A_302 : vector<32xbf16>
          %add3A_309 = arith.addf %add3A_303, %add3A_304 : vector<32xbf16>
          %add3A_310 = arith.addf %add3A_305, %add3A_306 : vector<32xbf16>
          %add3A_311 = arith.addf %add3A_307, %add3A_308 : vector<32xbf16>
          %add3A_312 = arith.addf %add3A_309, %add3A_310 : vector<32xbf16>
          %add3A_313 = arith.addf %add3A_311, %add3A_312 : vector<32xbf16>
          %bitcast3A_314 = vector.bitcast %add3A_313 : vector<32xbf16> to vector<16xi32>
          %swap3A = arith.constant 0 : i32
          %swap3A_315 = arith.index_cast %swap3A : i32 to index
          %swap3A_316 = arith.index_cast %add3A_160 : i32 to index
          %swap3A_317 = arith.index_cast %add3A_172 : i32 to index
          %swap3A_318 = tpu.vector_load %arg7[%swap3A_315, %swap3A_316, %swap3A_317] {strides = array<i32>} : memref<2x8x128xi32, #tpu.memory_space<vmem>>, vector<16xi32>,
          tpu.vector_store %arg7[%swap3A_315, %swap3A_316, %swap3A_317], %bitcast3A_314 {strides = array<i32>} : memref<2x8x128xi32, #tpu.memory_space<vmem>>, vector<16xi32>,
        }
        %scan3A_167 = arith.constant 8 : i32
      }
      %scan3A_87 = arith.constant 8 : i32
      %mul3A_88 = arith.constant 8 : i32
      %mul3A_89 = arith.muli %add3A_69, %mul3A_88 : i32
      %add3A_90 = arith.addi %mul3A_2, %mul3A_89 : i32
      %dma_start3A_91 = arith.constant 0 : i32
      %dma_start3A_92 = arith.constant 0 : i32
      %dma_start3A_93 = arith.constant 0 : i32
      %dma_start3A_94 = tpu.memref_slice %arg7[%dma_start3A_91, %dma_start3A_92, %dma_start3A_93] : memref<2x8x128xi32, #tpu.memory_space<vmem>> -> memref<1x8x128xi32, #tpu.memory_space<vmem>>
      %dma_start3A_95 = tpu.memref_squeeze %dma_start3A_94 : memref<1x8x128xi32, #tpu.memory_space<vmem>> -> memref<8x128xi32, #tpu.memory_space<vmem>>
      %dma_start3A_96 = arith.constant 0 : i32
      %dma_start3A_97 = tpu.memref_slice %arg4[%add3A_90, %dma_start3A_96] : memref<10240x128xi32, #tpu.memory_space<hbm>> -> memref<8x128xi32, #tpu.memory_space<hbm>>
      %dma_start3A_98 = arith.constant 0 : i32
      %dma_start3A_99 = tpu.memref_slice %arg4[%add3A_90, %dma_start3A_98] : memref<10240x128xi32, #tpu.memory_space<hbm>> -> memref<8x128xi32, #tpu.memory_space<hbm>>
      %dma_start3A_100 = arith.constant 0 : i32
      %dma_start3A_101 = arith.constant 0 : i32
      %dma_start3A_102 = tpu.memref_slice %arg7[%dma_start3A_91, %dma_start3A_100, %dma_start3A_101] : memref<2x8x128xi32, #tpu.memory_space<vmem>> -> memref<1x8x128xi32, #tpu.memory_space<vmem>>
      %dma_start3A_103 = tpu.memref_squeeze %dma_start3A_102 : memref<1x8x128xi32, #tpu.memory_space<vmem>> -> memref<8x128xi32, #tpu.memory_space<vmem>>
      tpu.enqueue_dma source(%dma_start3A_103 : memref<8x128xi32, #tpu.memory_space<vmem>>) target(%dma_start3A_99 : memref<8x128xi32, #tpu.memory_space<hbm>>) target_semaphore(%arg11 : memref<!tpu.dma_semaphore, #tpu.memory_space<semaphore_mem>>)
      %add3A_104 = arith.constant 2 : i32
      %add3A_105 = arith.addi %add3A_69, %add3A_104 : i32
      %lt3A = arith.constant 40 : i32
      %lt3A_106 = arith.cmpi slt, %add3A_105, %lt3A : i32
      %convert_element_type3A_107 = arith.extui %lt3A_106 : i1 to i32
      %cond3A_108 = arith.constant 0 : i32
      %cond3A_109 = arith.cmpi ne, %convert_element_type3A_107, %cond3A_108 : i32
      scf.if %cond3A_109 {
        %add3A_156 = arith.constant 2 : i32
        %add3A_157 = arith.addi %add3A_69, %add3A_156 : i32
        %dma_start3A_158 = arith.constant 0 : i32
        %dma_start3A_159 = arith.constant 0 : i32
        %dma_start3A_160 = arith.constant 0 : i32
        %dma_start3A_161 = tpu.memref_slice %arg6[%dma_start3A_158, %dma_start3A_159, %dma_start3A_160] : memref<2x128x128xi32, #tpu.memory_space<vmem>> -> memref<1x128x128xi32, #tpu.memory_space<vmem>>
        %dma_start3A_162 = tpu.memref_squeeze %dma_start3A_161 : memref<1x128x128xi32, #tpu.memory_space<vmem>> -> memref<128x128xi32, #tpu.memory_space<vmem>>
        %dma_start3A_163 = arith.constant 0 : i32
        %dma_start3A_164 = tpu.memref_slice %arg5[%add3A_157, %dma_start3A_163] : memref<40x128xi32, #tpu.memory_space<vmem>> -> memref<1x128xi32, #tpu.memory_space<vmem>>
        %dma_start3A_165 = tpu.memref_squeeze %dma_start3A_164 : memref<1x128xi32, #tpu.memory_space<vmem>> -> memref<128xi32, #tpu.memory_space<vmem>>
        %dma_start3A_166 = arith.constant 0 : i32
        %dma_start3A_167 = arith.constant 0 : i32
        %dma_start3A_168 = tpu.memref_slice %arg8[%dma_start3A_166, %dma_start3A_167] : memref<10240x128xi32, #tpu.memory_space<vmem_shared>> -> memref<10240x128xi32, #tpu.memory_space<vmem_shared>>
        tpu.enqueue_indirect_dma source(%dma_start3A_168 : memref<10240x128xi32, #tpu.memory_space<vmem_shared>>) target(%dma_start3A_162 : memref<128x128xi32, #tpu.memory_space<vmem>>) offsets(%dma_start3A_165 : memref<128xi32, #tpu.memory_space<vmem>>) semaphore(%arg9 : memref<!tpu.dma_semaphore, #tpu.memory_space<semaphore_mem>>)
      } else {
      }
      %add3A_110 = arith.constant 1 : i32
      %add3A_111 = arith.addi %add3A_67, %add3A_110 : i32
      %dma_wait3A_112 = arith.constant 1 : i32
      %dma_wait3A_113 = arith.constant 0 : i32
      %dma_wait3A_114 = arith.constant 0 : i32
      %dma_wait3A_115 = tpu.memref_slice %arg6[%dma_wait3A_112, %dma_wait3A_113, %dma_wait3A_114] : memref<2x128x128xi32, #tpu.memory_space<vmem>> -> memref<1x128x128xi32, #tpu.memory_space<vmem>>
      %dma_wait3A_116 = tpu.memref_squeeze %dma_wait3A_115 : memref<1x128x128xi32, #tpu.memory_space<vmem>> -> memref<128x128xi32, #tpu.memory_space<vmem>>
      %dma_wait3A_117 = arith.constant 0 : i32
      %dma_wait3A_118 = tpu.memref_slice %arg5[%add3A_111, %dma_wait3A_117] : memref<40x128xi32, #tpu.memory_space<vmem>> -> memref<1x128xi32, #tpu.memory_space<vmem>>
      %dma_wait3A_119 = tpu.memref_squeeze %dma_wait3A_118 : memref<1x128xi32, #tpu.memory_space<vmem>> -> memref<128xi32, #tpu.memory_space<vmem>>
      %dma_wait3A_120 = arith.constant 0 : i32
      %dma_wait3A_121 = arith.constant 0 : i32
      %dma_wait3A_122 = tpu.memref_slice %arg8[%dma_wait3A_120, %dma_wait3A_121] : memref<10240x128xi32, #tpu.memory_space<vmem_shared>> -> memref<10240x128xi32, #tpu.memory_space<vmem_shared>>
      tpu.wait_indirect_dma semaphore(%arg10 : memref<!tpu.dma_semaphore, #tpu.memory_space<semaphore_mem>>) src(%dma_wait3A_122 : memref<10240x128xi32, #tpu.memory_space<vmem_shared>>) dst(%dma_wait3A_116 : memref<128x128xi32, #tpu.memory_space<vmem>>)
      %ge3A_123 = arith.constant 2 : i32
      %ge3A_124 = arith.cmpi sge, %add3A_111, %ge3A_123 : i32
      %convert_element_type3A_125 = arith.extui %ge3A_124 : i1 to i32
      %cond3A_126 = arith.constant 0 : i32
      %cond3A_127 = arith.cmpi ne, %convert_element_type3A_125, %cond3A_126 : i32
      scf.if %cond3A_127 {
        %sub3A = arith.constant 2 : i32
        %sub3A_156 = arith.subi %add3A_111, %sub3A : i32
        %mul3A_157 = arith.constant 8 : i32
        %mul3A_158 = arith.muli %sub3A_156, %mul3A_157 : i32
        %add3A_159 = arith.addi %mul3A_2, %mul3A_158 : i32
        %dma_wait3A_160 = arith.constant 1 : i32
        %dma_wait3A_161 = arith.constant 0 : i32
        %dma_wait3A_162 = arith.constant 0 : i32
        %dma_wait3A_163 = tpu.memref_slice %arg7[%dma_wait3A_160, %dma_wait3A_161, %dma_wait3A_162] : memref<2x8x128xi32, #tpu.memory_space<vmem>> -> memref<1x8x128xi32, #tpu.memory_space<vmem>>
        %dma_wait3A_164 = tpu.memref_squeeze %dma_wait3A_163 : memref<1x8x128xi32, #tpu.memory_space<vmem>> -> memref<8x128xi32, #tpu.memory_space<vmem>>
        %dma_wait3A_165 = arith.constant 0 : i32
        %dma_wait3A_166 = tpu.memref_slice %arg4[%add3A_159, %dma_wait3A_165] : memref<10240x128xi32, #tpu.memory_space<hbm>> -> memref<8x128xi32, #tpu.memory_space<hbm>>
        %dma_wait3A_167 = arith.constant 0 : i32
        %dma_wait3A_168 = tpu.memref_slice %arg4[%add3A_159, %dma_wait3A_167] : memref<10240x128xi32, #tpu.memory_space<hbm>> -> memref<8x128xi32, #tpu.memory_space<hbm>>
        %dma_wait3A_169 = arith.constant 0 : i32
        %dma_wait3A_170 = arith.constant 0 : i32
        %dma_wait3A_171 = tpu.memref_slice %arg7[%dma_wait3A_160, %dma_wait3A_169, %dma_wait3A_170] : memref<2x8x128xi32, #tpu.memory_space<vmem>> -> memref<1x8x128xi32, #tpu.memory_space<vmem>>
        %dma_wait3A_172 = tpu.memref_squeeze %dma_wait3A_171 : memref<1x8x128xi32, #tpu.memory_space<vmem>> -> memref<8x128xi32, #tpu.memory_space<vmem>>
        tpu.wait_dma2 semaphore(%arg12 : memref<!tpu.dma_semaphore, #tpu.memory_space<semaphore_mem>>) src(%dma_wait3A_172 : memref<8x128xi32, #tpu.memory_space<vmem>>) dst(%dma_wait3A_168 : memref<8x128xi32, #tpu.memory_space<hbm>>)
      } else {
      }
      %scan3A_128 = arith.constant 0 : i32
      %scan3A_129 = arith.constant 8 : i32
      %scan3A_130 = arith.addi %scan3A_128, %scan3A_129 : i32
      %scan3A_131 = arith.constant 1 : i32
      scf.for %scan3A_156 = %scan3A_128 to %scan3A_130 step %scan3A_131  : i32 {
        %mul3A_157 = arith.constant 1 : i32
        %mul3A_158 = arith.muli %scan3A_156, %mul3A_157 : i32
        %add3A_159 = arith.constant 0 : i32
        %add3A_160 = arith.addi %add3A_159, %mul3A_158 : i32
        %mul3A_161 = arith.constant 16 : i32
        %mul3A_162 = arith.muli %add3A_160, %mul3A_161 : i32
        %scan3A_163 = arith.constant 0 : i32
        %scan3A_164 = arith.constant 8 : i32
        %scan3A_165 = arith.addi %scan3A_163, %scan3A_164 : i32
        %scan3A_166 = arith.constant 1 : i32
        scf.for %scan3A_168 = %scan3A_163 to %scan3A_165 step %scan3A_166  : i32 {
          %mul3A_169 = arith.constant 16 : i32
          %mul3A_170 = arith.muli %scan3A_168, %mul3A_169 : i32
          %add3A_171 = arith.constant 0 : i32
          %add3A_172 = arith.addi %add3A_171, %mul3A_170 : i32
          %add3A_173 = arith.constant 0 : i32
          %add3A_174 = arith.addi %mul3A_162, %add3A_173 : i32
          %get3A = arith.constant 1 : i32
          %get3A_175 = arith.index_cast %get3A : i32 to index
          %get3A_176 = arith.index_cast %add3A_174 : i32 to index
          %get3A_177 = arith.index_cast %add3A_172 : i32 to index
          %get3A_178 = tpu.vector_load %arg6[%get3A_175, %get3A_176, %get3A_177] {strides = array<i32>} : memref<2x128x128xi32, #tpu.memory_space<vmem>>, vector<16xi32>,
          %bitcast3A = vector.bitcast %get3A_178 : vector<16xi32> to vector<32xbf16>
          %add3A_179 = arith.constant 1 : i32
          %add3A_180 = arith.addi %mul3A_162, %add3A_179 : i32
          %get3A_181 = arith.constant 1 : i32
          %get3A_182 = arith.index_cast %get3A_181 : i32 to index
          %get3A_183 = arith.index_cast %add3A_180 : i32 to index
          %get3A_184 = arith.index_cast %add3A_172 : i32 to index
          %get3A_185 = tpu.vector_load %arg6[%get3A_182, %get3A_183, %get3A_184] {strides = array<i32>} : memref<2x128x128xi32, #tpu.memory_space<vmem>>, vector<16xi32>,
          %bitcast3A_186 = vector.bitcast %get3A_185 : vector<16xi32> to vector<32xbf16>
          %add3A_187 = arith.constant 2 : i32
          %add3A_188 = arith.addi %mul3A_162, %add3A_187 : i32
          %get3A_189 = arith.constant 1 : i32
          %get3A_190 = arith.index_cast %get3A_189 : i32 to index
          %get3A_191 = arith.index_cast %add3A_188 : i32 to index
          %get3A_192 = arith.index_cast %add3A_172 : i32 to index
          %get3A_193 = tpu.vector_load %arg6[%get3A_190, %get3A_191, %get3A_192] {strides = array<i32>} : memref<2x128x128xi32, #tpu.memory_space<vmem>>, vector<16xi32>,
          %bitcast3A_194 = vector.bitcast %get3A_193 : vector<16xi32> to vector<32xbf16>
          %add3A_195 = arith.constant 3 : i32
          %add3A_196 = arith.addi %mul3A_162, %add3A_195 : i32
          %get3A_197 = arith.constant 1 : i32
          %get3A_198 = arith.index_cast %get3A_197 : i32 to index
          %get3A_199 = arith.index_cast %add3A_196 : i32 to index
          %get3A_200 = arith.index_cast %add3A_172 : i32 to index
          %get3A_201 = tpu.vector_load %arg6[%get3A_198, %get3A_199, %get3A_200] {strides = array<i32>} : memref<2x128x128xi32, #tpu.memory_space<vmem>>, vector<16xi32>,
          %bitcast3A_202 = vector.bitcast %get3A_201 : vector<16xi32> to vector<32xbf16>
          %add3A_203 = arith.constant 4 : i32
          %add3A_204 = arith.addi %mul3A_162, %add3A_203 : i32
          %get3A_205 = arith.constant 1 : i32
          %get3A_206 = arith.index_cast %get3A_205 : i32 to index
          %get3A_207 = arith.index_cast %add3A_204 : i32 to index
          %get3A_208 = arith.index_cast %add3A_172 : i32 to index
          %get3A_209 = tpu.vector_load %arg6[%get3A_206, %get3A_207, %get3A_208] {strides = array<i32>} : memref<2x128x128xi32, #tpu.memory_space<vmem>>, vector<16xi32>,
          %bitcast3A_210 = vector.bitcast %get3A_209 : vector<16xi32> to vector<32xbf16>
          %add3A_211 = arith.constant 5 : i32
          %add3A_212 = arith.addi %mul3A_162, %add3A_211 : i32
          %get3A_213 = arith.constant 1 : i32
          %get3A_214 = arith.index_cast %get3A_213 : i32 to index
          %get3A_215 = arith.index_cast %add3A_212 : i32 to index
          %get3A_216 = arith.index_cast %add3A_172 : i32 to index
          %get3A_217 = tpu.vector_load %arg6[%get3A_214, %get3A_215, %get3A_216] {strides = array<i32>} : memref<2x128x128xi32, #tpu.memory_space<vmem>>, vector<16xi32>,
          %bitcast3A_218 = vector.bitcast %get3A_217 : vector<16xi32> to vector<32xbf16>
          %add3A_219 = arith.constant 6 : i32
          %add3A_220 = arith.addi %mul3A_162, %add3A_219 : i32
          %get3A_221 = arith.constant 1 : i32
          %get3A_222 = arith.index_cast %get3A_221 : i32 to index
          %get3A_223 = arith.index_cast %add3A_220 : i32 to index
          %get3A_224 = arith.index_cast %add3A_172 : i32 to index
          %get3A_225 = tpu.vector_load %arg6[%get3A_222, %get3A_223, %get3A_224] {strides = array<i32>} : memref<2x128x128xi32, #tpu.memory_space<vmem>>, vector<16xi32>,
          %bitcast3A_226 = vector.bitcast %get3A_225 : vector<16xi32> to vector<32xbf16>
          %add3A_227 = arith.constant 7 : i32
          %add3A_228 = arith.addi %mul3A_162, %add3A_227 : i32
          %get3A_229 = arith.constant 1 : i32
          %get3A_230 = arith.index_cast %get3A_229 : i32 to index
          %get3A_231 = arith.index_cast %add3A_228 : i32 to index
          %get3A_232 = arith.index_cast %add3A_172 : i32 to index
          %get3A_233 = tpu.vector_load %arg6[%get3A_230, %get3A_231, %get3A_232] {strides = array<i32>} : memref<2x128x128xi32, #tpu.memory_space<vmem>>, vector<16xi32>,
          %bitcast3A_234 = vector.bitcast %get3A_233 : vector<16xi32> to vector<32xbf16>
          %add3A_235 = arith.constant 8 : i32
          %add3A_236 = arith.addi %mul3A_162, %add3A_235 : i32
          %get3A_237 = arith.constant 1 : i32
          %get3A_238 = arith.index_cast %get3A_237 : i32 to index
          %get3A_239 = arith.index_cast %add3A_236 : i32 to index
          %get3A_240 = arith.index_cast %add3A_172 : i32 to index
          %get3A_241 = tpu.vector_load %arg6[%get3A_238, %get3A_239, %get3A_240] {strides = array<i32>} : memref<2x128x128xi32, #tpu.memory_space<vmem>>, vector<16xi32>,
          %bitcast3A_242 = vector.bitcast %get3A_241 : vector<16xi32> to vector<32xbf16>
          %add3A_243 = arith.constant 9 : i32
          %add3A_244 = arith.addi %mul3A_162, %add3A_243 : i32
          %get3A_245 = arith.constant 1 : i32
          %get3A_246 = arith.index_cast %get3A_245 : i32 to index
          %get3A_247 = arith.index_cast %add3A_244 : i32 to index
          %get3A_248 = arith.index_cast %add3A_172 : i32 to index
          %get3A_249 = tpu.vector_load %arg6[%get3A_246, %get3A_247, %get3A_248] {strides = array<i32>} : memref<2x128x128xi32, #tpu.memory_space<vmem>>, vector<16xi32>,
          %bitcast3A_250 = vector.bitcast %get3A_249 : vector<16xi32> to vector<32xbf16>
          %add3A_251 = arith.constant 10 : i32
          %add3A_252 = arith.addi %mul3A_162, %add3A_251 : i32
          %get3A_253 = arith.constant 1 : i32
          %get3A_254 = arith.index_cast %get3A_253 : i32 to index
          %get3A_255 = arith.index_cast %add3A_252 : i32 to index
          %get3A_256 = arith.index_cast %add3A_172 : i32 to index
          %get3A_257 = tpu.vector_load %arg6[%get3A_254, %get3A_255, %get3A_256] {strides = array<i32>} : memref<2x128x128xi32, #tpu.memory_space<vmem>>, vector<16xi32>,
          %bitcast3A_258 = vector.bitcast %get3A_257 : vector<16xi32> to vector<32xbf16>
          %add3A_259 = arith.constant 11 : i32
          %add3A_260 = arith.addi %mul3A_162, %add3A_259 : i32
          %get3A_261 = arith.constant 1 : i32
          %get3A_262 = arith.index_cast %get3A_261 : i32 to index
          %get3A_263 = arith.index_cast %add3A_260 : i32 to index
          %get3A_264 = arith.index_cast %add3A_172 : i32 to index
          %get3A_265 = tpu.vector_load %arg6[%get3A_262, %get3A_263, %get3A_264] {strides = array<i32>} : memref<2x128x128xi32, #tpu.memory_space<vmem>>, vector<16xi32>,
          %bitcast3A_266 = vector.bitcast %get3A_265 : vector<16xi32> to vector<32xbf16>
          %add3A_267 = arith.constant 12 : i32
          %add3A_268 = arith.addi %mul3A_162, %add3A_267 : i32
          %get3A_269 = arith.constant 1 : i32
          %get3A_270 = arith.index_cast %get3A_269 : i32 to index
          %get3A_271 = arith.index_cast %add3A_268 : i32 to index
          %get3A_272 = arith.index_cast %add3A_172 : i32 to index
          %get3A_273 = tpu.vector_load %arg6[%get3A_270, %get3A_271, %get3A_272] {strides = array<i32>} : memref<2x128x128xi32, #tpu.memory_space<vmem>>, vector<16xi32>,
          %bitcast3A_274 = vector.bitcast %get3A_273 : vector<16xi32> to vector<32xbf16>
          %add3A_275 = arith.constant 13 : i32
          %add3A_276 = arith.addi %mul3A_162, %add3A_275 : i32
          %get3A_277 = arith.constant 1 : i32
          %get3A_278 = arith.index_cast %get3A_277 : i32 to index
          %get3A_279 = arith.index_cast %add3A_276 : i32 to index
          %get3A_280 = arith.index_cast %add3A_172 : i32 to index
          %get3A_281 = tpu.vector_load %arg6[%get3A_278, %get3A_279, %get3A_280] {strides = array<i32>} : memref<2x128x128xi32, #tpu.memory_space<vmem>>, vector<16xi32>,
          %bitcast3A_282 = vector.bitcast %get3A_281 : vector<16xi32> to vector<32xbf16>
          %add3A_283 = arith.constant 14 : i32
          %add3A_284 = arith.addi %mul3A_162, %add3A_283 : i32
          %get3A_285 = arith.constant 1 : i32
          %get3A_286 = arith.index_cast %get3A_285 : i32 to index
          %get3A_287 = arith.index_cast %add3A_284 : i32 to index
          %get3A_288 = arith.index_cast %add3A_172 : i32 to index
          %get3A_289 = tpu.vector_load %arg6[%get3A_286, %get3A_287, %get3A_288] {strides = array<i32>} : memref<2x128x128xi32, #tpu.memory_space<vmem>>, vector<16xi32>,
          %bitcast3A_290 = vector.bitcast %get3A_289 : vector<16xi32> to vector<32xbf16>
          %add3A_291 = arith.constant 15 : i32
          %add3A_292 = arith.addi %mul3A_162, %add3A_291 : i32
          %get3A_293 = arith.constant 1 : i32
          %get3A_294 = arith.index_cast %get3A_293 : i32 to index
          %get3A_295 = arith.index_cast %add3A_292 : i32 to index
          %get3A_296 = arith.index_cast %add3A_172 : i32 to index
          %get3A_297 = tpu.vector_load %arg6[%get3A_294, %get3A_295, %get3A_296] {strides = array<i32>} : memref<2x128x128xi32, #tpu.memory_space<vmem>>, vector<16xi32>,
          %bitcast3A_298 = vector.bitcast %get3A_297 : vector<16xi32> to vector<32xbf16>
          %add3A_299 = arith.addf %bitcast3A, %bitcast3A_186 : vector<32xbf16>
          %add3A_300 = arith.addf %bitcast3A_194, %bitcast3A_202 : vector<32xbf16>
          %add3A_301 = arith.addf %bitcast3A_210, %bitcast3A_218 : vector<32xbf16>
          %add3A_302 = arith.addf %bitcast3A_226, %bitcast3A_234 : vector<32xbf16>
          %add3A_303 = arith.addf %bitcast3A_242, %bitcast3A_250 : vector<32xbf16>
          %add3A_304 = arith.addf %bitcast3A_258, %bitcast3A_266 : vector<32xbf16>
          %add3A_305 = arith.addf %bitcast3A_274, %bitcast3A_282 : vector<32xbf16>
          %add3A_306 = arith.addf %bitcast3A_290, %bitcast3A_298 : vector<32xbf16>
          %add3A_307 = arith.addf %add3A_299, %add3A_300 : vector<32xbf16>
          %add3A_308 = arith.addf %add3A_301, %add3A_302 : vector<32xbf16>
          %add3A_309 = arith.addf %add3A_303, %add3A_304 : vector<32xbf16>
          %add3A_310 = arith.addf %add3A_305, %add3A_306 : vector<32xbf16>
          %add3A_311 = arith.addf %add3A_307, %add3A_308 : vector<32xbf16>
          %add3A_312 = arith.addf %add3A_309, %add3A_310 : vector<32xbf16>
          %add3A_313 = arith.addf %add3A_311, %add3A_312 : vector<32xbf16>
          %bitcast3A_314 = vector.bitcast %add3A_313 : vector<32xbf16> to vector<16xi32>
          %swap3A = arith.constant 1 : i32
          %swap3A_315 = arith.index_cast %swap3A : i32 to index
          %swap3A_316 = arith.index_cast %add3A_160 : i32 to index
          %swap3A_317 = arith.index_cast %add3A_172 : i32 to index
          %swap3A_318 = tpu.vector_load %arg7[%swap3A_315, %swap3A_316, %swap3A_317] {strides = array<i32>} : memref<2x8x128xi32, #tpu.memory_space<vmem>>, vector<16xi32>,
          tpu.vector_store %arg7[%swap3A_315, %swap3A_316, %swap3A_317], %bitcast3A_314 {strides = array<i32>} : memref<2x8x128xi32, #tpu.memory_space<vmem>>, vector<16xi32>,
        }
        %scan3A_167 = arith.constant 8 : i32
      }
      %scan3A_132 = arith.constant 8 : i32
      %mul3A_133 = arith.constant 8 : i32
      %mul3A_134 = arith.muli %add3A_111, %mul3A_133 : i32
      %add3A_135 = arith.addi %mul3A_2, %mul3A_134 : i32
      %dma_start3A_136 = arith.constant 1 : i32
      %dma_start3A_137 = arith.constant 0 : i32
      %dma_start3A_138 = arith.constant 0 : i32
      %dma_start3A_139 = tpu.memref_slice %arg7[%dma_start3A_136, %dma_start3A_137, %dma_start3A_138] : memref<2x8x128xi32, #tpu.memory_space<vmem>> -> memref<1x8x128xi32, #tpu.memory_space<vmem>>
      %dma_start3A_140 = tpu.memref_squeeze %dma_start3A_139 : memref<1x8x128xi32, #tpu.memory_space<vmem>> -> memref<8x128xi32, #tpu.memory_space<vmem>>
      %dma_start3A_141 = arith.constant 0 : i32
      %dma_start3A_142 = tpu.memref_slice %arg4[%add3A_135, %dma_start3A_141] : memref<10240x128xi32, #tpu.memory_space<hbm>> -> memref<8x128xi32, #tpu.memory_space<hbm>>
      %dma_start3A_143 = arith.constant 0 : i32
      %dma_start3A_144 = tpu.memref_slice %arg4[%add3A_135, %dma_start3A_143] : memref<10240x128xi32, #tpu.memory_space<hbm>> -> memref<8x128xi32, #tpu.memory_space<hbm>>
      %dma_start3A_145 = arith.constant 0 : i32
      %dma_start3A_146 = arith.constant 0 : i32
      %dma_start3A_147 = tpu.memref_slice %arg7[%dma_start3A_136, %dma_start3A_145, %dma_start3A_146] : memref<2x8x128xi32, #tpu.memory_space<vmem>> -> memref<1x8x128xi32, #tpu.memory_space<vmem>>
      %dma_start3A_148 = tpu.memref_squeeze %dma_start3A_147 : memref<1x8x128xi32, #tpu.memory_space<vmem>> -> memref<8x128xi32, #tpu.memory_space<vmem>>
      tpu.enqueue_dma source(%dma_start3A_148 : memref<8x128xi32, #tpu.memory_space<vmem>>) target(%dma_start3A_144 : memref<8x128xi32, #tpu.memory_space<hbm>>) target_semaphore(%arg12 : memref<!tpu.dma_semaphore, #tpu.memory_space<semaphore_mem>>)
      %add3A_149 = arith.constant 2 : i32
      %add3A_150 = arith.addi %add3A_111, %add3A_149 : i32
      %lt3A_151 = arith.constant 40 : i32
      %lt3A_152 = arith.cmpi slt, %add3A_150, %lt3A_151 : i32
      %convert_element_type3A_153 = arith.extui %lt3A_152 : i1 to i32
      %cond3A_154 = arith.constant 0 : i32
      %cond3A_155 = arith.cmpi ne, %convert_element_type3A_153, %cond3A_154 : i32
      scf.if %cond3A_155 {
        %add3A_156 = arith.constant 2 : i32
        %add3A_157 = arith.addi %add3A_111, %add3A_156 : i32
        %dma_start3A_158 = arith.constant 1 : i32
        %dma_start3A_159 = arith.constant 0 : i32
        %dma_start3A_160 = arith.constant 0 : i32
        %dma_start3A_161 = tpu.memref_slice %arg6[%dma_start3A_158, %dma_start3A_159, %dma_start3A_160] : memref<2x128x128xi32, #tpu.memory_space<vmem>> -> memref<1x128x128xi32, #tpu.memory_space<vmem>>
        %dma_start3A_162 = tpu.memref_squeeze %dma_start3A_161 : memref<1x128x128xi32, #tpu.memory_space<vmem>> -> memref<128x128xi32, #tpu.memory_space<vmem>>
        %dma_start3A_163 = arith.constant 0 : i32
        %dma_start3A_164 = tpu.memref_slice %arg5[%add3A_157, %dma_start3A_163] : memref<40x128xi32, #tpu.memory_space<vmem>> -> memref<1x128xi32, #tpu.memory_space<vmem>>
        %dma_start3A_165 = tpu.memref_squeeze %dma_start3A_164 : memref<1x128xi32, #tpu.memory_space<vmem>> -> memref<128xi32, #tpu.memory_space<vmem>>
        %dma_start3A_166 = arith.constant 0 : i32
        %dma_start3A_167 = arith.constant 0 : i32
        %dma_start3A_168 = tpu.memref_slice %arg8[%dma_start3A_166, %dma_start3A_167] : memref<10240x128xi32, #tpu.memory_space<vmem_shared>> -> memref<10240x128xi32, #tpu.memory_space<vmem_shared>>
        tpu.enqueue_indirect_dma source(%dma_start3A_168 : memref<10240x128xi32, #tpu.memory_space<vmem_shared>>) target(%dma_start3A_162 : memref<128x128xi32, #tpu.memory_space<vmem>>) offsets(%dma_start3A_165 : memref<128xi32, #tpu.memory_space<vmem>>) semaphore(%arg10 : memref<!tpu.dma_semaphore, #tpu.memory_space<semaphore_mem>>)
      } else {
      }
    }
    %scan3A_33 = arith.constant 20 : i32
    %add3A_34 = arith.constant 304 : i32
    %add3A_35 = arith.addi %mul3A_2, %add3A_34 : i32
    %dma_wait3A = arith.constant 0 : i32
    %dma_wait3A_36 = arith.constant 0 : i32
    %dma_wait3A_37 = arith.constant 0 : i32
    %dma_wait3A_38 = tpu.memref_slice %arg7[%dma_wait3A, %dma_wait3A_36, %dma_wait3A_37] : memref<2x8x128xi32, #tpu.memory_space<vmem>> -> memref<1x8x128xi32, #tpu.memory_space<vmem>>
    %dma_wait3A_39 = tpu.memref_squeeze %dma_wait3A_38 : memref<1x8x128xi32, #tpu.memory_space<vmem>> -> memref<8x128xi32, #tpu.memory_space<vmem>>
    %dma_wait3A_40 = arith.constant 0 : i32
    %dma_wait3A_41 = tpu.memref_slice %arg4[%add3A_35, %dma_wait3A_40] : memref<10240x128xi32, #tpu.memory_space<hbm>> -> memref<8x128xi32, #tpu.memory_space<hbm>>
    %dma_wait3A_42 = arith.constant 0 : i32
    %dma_wait3A_43 = tpu.memref_slice %arg4[%add3A_35, %dma_wait3A_42] : memref<10240x128xi32, #tpu.memory_space<hbm>> -> memref<8x128xi32, #tpu.memory_space<hbm>>
    %dma_wait3A_44 = arith.constant 0 : i32
    %dma_wait3A_45 = arith.constant 0 : i32
    %dma_wait3A_46 = tpu.memref_slice %arg7[%dma_wait3A, %dma_wait3A_44, %dma_wait3A_45] : memref<2x8x128xi32, #tpu.memory_space<vmem>> -> memref<1x8x128xi32, #tpu.memory_space<vmem>>
    %dma_wait3A_47 = tpu.memref_squeeze %dma_wait3A_46 : memref<1x8x128xi32, #tpu.memory_space<vmem>> -> memref<8x128xi32, #tpu.memory_space<vmem>>
    tpu.wait_dma2 semaphore(%arg11 : memref<!tpu.dma_semaphore, #tpu.memory_space<semaphore_mem>>) src(%dma_wait3A_47 : memref<8x128xi32, #tpu.memory_space<vmem>>) dst(%dma_wait3A_43 : memref<8x128xi32, #tpu.memory_space<hbm>>)
    %add3A_48 = arith.constant 312 : i32
    %add3A_49 = arith.addi %mul3A_2, %add3A_48 : i32
    %dma_wait3A_50 = arith.constant 1 : i32
    %dma_wait3A_51 = arith.constant 0 : i32
    %dma_wait3A_52 = arith.constant 0 : i32
    %dma_wait3A_53 = tpu.memref_slice %arg7[%dma_wait3A_50, %dma_wait3A_51, %dma_wait3A_52] : memref<2x8x128xi32, #tpu.memory_space<vmem>> -> memref<1x8x128xi32, #tpu.memory_space<vmem>>
    %dma_wait3A_54 = tpu.memref_squeeze %dma_wait3A_53 : memref<1x8x128xi32, #tpu.memory_space<vmem>> -> memref<8x128xi32, #tpu.memory_space<vmem>>
    %dma_wait3A_55 = arith.constant 0 : i32
    %dma_wait3A_56 = tpu.memref_slice %arg4[%add3A_49, %dma_wait3A_55] : memref<10240x128xi32, #tpu.memory_space<hbm>> -> memref<8x128xi32, #tpu.memory_space<hbm>>
    %dma_wait3A_57 = arith.constant 0 : i32
    %dma_wait3A_58 = tpu.memref_slice %arg4[%add3A_49, %dma_wait3A_57] : memref<10240x128xi32, #tpu.memory_space<hbm>> -> memref<8x128xi32, #tpu.memory_space<hbm>>
    %dma_wait3A_59 = arith.constant 0 : i32
    %dma_wait3A_60 = arith.constant 0 : i32
    %dma_wait3A_61 = tpu.memref_slice %arg7[%dma_wait3A_50, %dma_wait3A_59, %dma_wait3A_60] : memref<2x8x128xi32, #tpu.memory_space<vmem>> -> memref<1x8x128xi32, #tpu.memory_space<vmem>>
    %dma_wait3A_62 = tpu.memref_squeeze %dma_wait3A_61 : memref<1x8x128xi32, #tpu.memory_space<vmem>> -> memref<8x128xi32, #tpu.memory_space<vmem>>
    tpu.wait_dma2 semaphore(%arg12 : memref<!tpu.dma_semaphore, #tpu.memory_space<semaphore_mem>>) src(%dma_wait3A_62 : memref<8x128xi32, #tpu.memory_space<vmem>>) dst(%dma_wait3A_58 : memref<8x128xi32, #tpu.memory_space<hbm>>)
    return
  }
}

module attributes {stable_mosaic.version = 14 : i64} {
  func.func @_tc_body(%arg0: i32, %arg1: memref<1000x256xf32, #tpu.memory_space<vmem>>, %arg2: memref<1000x256xbf16, #tpu.memory_space<vmem>>, %arg3: memref<512x512xf32, #tpu.memory_space<vmem>>, %arg4: memref<1x512xf32, #tpu.memory_space<vmem>>, %arg5: memref<1000x512xf32, #tpu.memory_space<vmem>>) attributes {dimension_semantics = [#tpu.dimension_semantics<arbitrary>], iteration_bounds = array<i64: 10>, scalar_prefetch = 0 : i64, scratch_operands = 0 : i64, tpu.core_type = #tpu.core_type<tc>, window_params = [{transform_indices = @transform_0, window_bounds = array<i64: 1000, 256>}, {transform_indices = @transform_1, window_bounds = array<i64: 1000, 256>}, {pipeline_mode = #tpu.pipeline_mode<synchronous>, transform_indices = @transform_2, window_bounds = array<i64: 512, 512>}, {pipeline_mode = #tpu.pipeline_mode<synchronous>, transform_indices = @transform_3, window_bounds = array<i64: 1, 512>}, {transform_indices = @transform_4, window_bounds = array<i64: 1000, 512>}]} {
    %get3A = arith.constant 0 : index
    %get3A_0 = arith.constant 0 : index
    %get3A_1 = vector.load %arg1[%get3A, %get3A_0] : memref<1000x256xf32, #tpu.memory_space<vmem>>, vector<1000x256xf32>
    %get3A_2 = arith.constant 0 : index
    %get3A_3 = arith.constant 0 : index
    %get3A_4 = vector.load %arg3[%get3A_2, %get3A_3] : memref<512x512xf32, #tpu.memory_space<vmem>>, vector<512x256xf32>
    %dot_general3A = arith.constant dense<0.000000e+00> : vector<1000x512xf32>
    %dot_general3A_5 = tpu.matmul %get3A_1, %get3A_4, %dot_general3A {dimension_numbers = #tpu.dot_dimension_numbers<[1], [1], [0], [0], [0, 0, 1, 0], [], []>, transpose_lhs_hint = false} : vector<1000x256xf32>, vector<512x256xf32>, vector<1000x512xf32> -> vector<1000x512xf32>
    %get3A_6 = arith.constant 0 : index
    %get3A_7 = arith.constant 0 : index
    %get3A_8 = vector.load %arg2[%get3A_6, %get3A_7] : memref<1000x256xbf16, #tpu.memory_space<vmem>>, vector<1000x256xbf16>
    %convert_element_type3A = arith.extf %get3A_8 : vector<1000x256xbf16> to vector<1000x256xf32>
    %get3A_9 = arith.constant 0 : index
    %get3A_10 = arith.constant 256 : index
    %get3A_11 = vector.load %arg3[%get3A_9, %get3A_10] : memref<512x512xf32, #tpu.memory_space<vmem>>, vector<512x256xf32>
    %dot_general3A_12 = arith.constant dense<0.000000e+00> : vector<1000x512xf32>
    %dot_general3A_13 = tpu.matmul %convert_element_type3A, %get3A_11, %dot_general3A_12 {dimension_numbers = #tpu.dot_dimension_numbers<[1], [1], [0], [0], [0, 0, 1, 0], [], []>, transpose_lhs_hint = false} : vector<1000x256xf32>, vector<512x256xf32>, vector<1000x512xf32> -> vector<1000x512xf32>
    %mul3A = arith.constant 6.250000e-02 : f32
    %mul3A_14 = vector.broadcast %mul3A : f32 to vector<1000x512xf32>
    %mul3A_15 = arith.mulf %dot_general3A_13, %mul3A_14 : vector<1000x512xf32>
    %add3A = arith.addf %dot_general3A_5, %mul3A_15 : vector<1000x512xf32>
    %get3A_16 = arith.constant 0 : index
    %get3A_17 = arith.constant 0 : index
    %get3A_18 = vector.load %arg4[%get3A_16, %get3A_17] : memref<1x512xf32, #tpu.memory_space<vmem>>, vector<1x512xf32>
    %add3A_19 = vector.broadcast %get3A_18 : vector<1x512xf32> to vector<1000x512xf32>
    %add3A_20 = arith.addf %add3A, %add3A_19 : vector<1000x512xf32>
    %max3A = arith.constant 0.000000e+00 : f32
    %max3A_21 = vector.broadcast %max3A : f32 to vector<1000x512xf32>
    %max3A_22 = arith.maximumf %add3A_20, %max3A_21 : vector<1000x512xf32>
    %swap3A = arith.constant 0 : index
    %swap3A_23 = arith.constant 0 : index
    %swap3A_24 = vector.load %arg5[%swap3A, %swap3A_23] : memref<1000x512xf32, #tpu.memory_space<vmem>>, vector<1000x512xf32>
    tpu.vector_store %arg5[%swap3A, %swap3A_23], %max3A_22 {strides = array<i32>} : memref<1000x512xf32, #tpu.memory_space<vmem>>, vector<1000x512xf32>,
    return
  }
  func.func @transform_0(%arg0: i32) -> (i32, i32) {
    %c0_i32 = arith.constant 0 : i32
    %c0_i32_0 = arith.constant 0 : i32
    return %arg0, %c0_i32 : i32, i32
  }
  func.func @transform_1(%arg0: i32) -> (i32, i32) {
    %c0_i32 = arith.constant 0 : i32
    %c0_i32_0 = arith.constant 0 : i32
    return %arg0, %c0_i32 : i32, i32
  }
  func.func @transform_2(%arg0: i32) -> (i32, i32) {
    %c0_i32 = arith.constant 0 : i32
    %c0_i32_0 = arith.constant 0 : i32
    %c0_i32_1 = arith.constant 0 : i32
    return %c0_i32, %c0_i32_0 : i32, i32
  }
  func.func @transform_3(%arg0: i32) -> (i32, i32) {
    %c0_i32 = arith.constant 0 : i32
    %c0_i32_0 = arith.constant 0 : i32
    %c0_i32_1 = arith.constant 0 : i32
    return %c0_i32, %c0_i32_0 : i32, i32
  }
  func.func @transform_4(%arg0: i32) -> (i32, i32) {
    %c0_i32 = arith.constant 0 : i32
    %c0_i32_0 = arith.constant 0 : i32
    return %arg0, %c0_i32 : i32, i32
  }
}

</mosaic_0001>

<sc_bundles>
// kernel: kernel.4.cloned.1.call-start
scs
__scs_entry_jumppad:
0x0: {  	(pc) =	sbr.rel $0x88, $3  }
0x1: {  	(tag) =	ssettag $0x0;
	lr =	simm.s32 $0x1  }
0x2: {  	[smem:$0x3F9D] =	sst lr;
	_ =	strace $0xD0000000  }
0x3: {  	_ = 	snop  }
0x4: {  	_ = 	snop  }
0x5: {  	_ = 	snop  }
0x6: {  	_ = 	snop  }
0x7: {  	_ = 	snop  }
__scs_overlays_trampoline_lowered:
0x8: {  	[smem:$0x3FAC] =	sst s0  }
0x9: {  	[smem:$0x3FAD] =	sst s1  }
0xa: {  	[smem:$0x3FAE] =	sst s2  }
0xb: {  	[smem:$0x3FAF] =	sst s3  }
0xc: {  	[smem:$0x3FB0] =	sst s4  }
0xd: {  	[smem:$0x3FB1] =	sst s5  }
0xe: {  	[smem:$0x3FB2] =	sst s6  }
0xf: {  	[smem:$0x3FB3] =	sst s7  }
0x10: {  	[smem:$0x3FB4] =	sst s8  }
0x11: {  	[smem:$0x3FB5] =	sst s9;
	s0 =	simm.s32 @!p0 $0x0  }
0x12: {  	s1 =	sld [smem:$0x3F9B];
	s0 =	simm.s32 @p0 $0x1  }
0x13: {  	[smem:$0x3FB6] =	sst s0;
	s0 =	simm.s32 @!p1 $0x0  }
0x14: {  	s2 =	sld [smem:$0x3F9A];
	s0 =	simm.s32 @p1 $0x1  }
0x15: {  	[smem:$0x3FB7] =	sst s0;
	s0 =	simm.s32 @!p2 $0x0  }
0x16: {  	s3 =	sld [smem:$0x3FDB];
	s0 =	simm.s32 @p2 $0x1  }
0x17: {  	s4 =	simm.s32 $0x1BF5;
	[smem:$0x3FB9] =	sst s0  }
0x18: {  	s0 =	sld [smem:$0x3F9C];
	_ =	swait.ge [sflag:s4], $0x0  }
0x19: {  	s7 =	sld [smem:$0x3F9D]  }
0x1a: {  	s8 =	sadd.s32 $0xFFFFE003, lr  }
0x1b: {  	s9 =	sadd.s32 $0xFFFFFEF7, lr;
	s5 =	simm.s32 $0xFFFFFFFF;
	p2 =	slt.u32 s8, $0xFFFFF086  }
0x1c: {  	p1 =	slt.u32 s9, $0xF7A;
	s5 =	simm.s32 @!p2 $0x0  }
0x1d: {  	s5 =	simm.s32 @p1 $0x1;
	p0 =	seq.s32 s7, s2  }
0x1e: {  	s7 =	smul.u32 @!p0 $0xF7A, s2;
	p2 =	seq.s32 @!p0 s5, $0x0  }
0x1f: {  	s9 =	smul.u32 $0xF7A, s1;
	s8 =	simm.s32 @!p0 $0x1BF5;
	p2 =	por !p2, p0  }
0x20: {  	[sflag:s8] =	ssyncset.s32 @!p0 $0xFFFFF086;
	s6 =	sadd.s32 @!p0 s3, s7;
	s7 =	simm.s32 @!p0 $0x108  }
0x21: {  	s3 =	sadd.s32 s3, s9;
	s6 =	sadd.s32 @!p0 $0x88, s6;
	s7 =	simm.s32 @p2 $0x1082  }
0x22: {  	[simem:s7], [sflag:s8] =	dma.local @!p0 [hbm:s6], $0xF7A  }
0x23: {  	s9 =	sor.u32 $0xD0000000, s2;
	s6 =	simm.s32 $0x108;
	_ =	swait.ge @!p0 [sflag:s8], $0x0  }
0x24: {  	s3 =	sadd.s32 $0x88, s3;
	s6 =	simm.s32 @!p1 $0x1082;
	[sflag:s4] =	ssyncset.s32 $0xFFFFF086  }
0x25: {  	[simem:s6], [sflag:s4] =	dma.local [hbm:s3], $0xF7A  }
0x26: {  	[smem:$0x3F9D] =	sst s1;
	(tag) =	ssettag s2;
	_ =	strace s9  }
0x27: {  	s1 =	sld [smem:$0x3FAD]  }
0x28: {  	s2 =	sld [smem:$0x3FAE]  }
0x29: {  	s4 =	sld [smem:$0x3FB0]  }
0x2a: {  	p0 =	seq.s32 s5, $0x0;
	s5 =	sld [smem:$0x3FB1]  }
0x2b: {  	s6 =	sld [smem:$0x3FB2]  }
0x2c: {  	s7 =	sld [smem:$0x3FB3]  }
0x2d: {  	s3 =	simm.s32 $0x108;
	s8 =	sld [smem:$0x3FB4]  }
0x2e: {  	s3 =	simm.s32 @!p0 $0x1082;
	s9 =	sld [smem:$0x3FB5]  }
0x2f: {  	lr =	sadd.s32 s0, s3;
	s0 =	sld [smem:$0x3FAC]  }
0x30: {  	s3 =	sld [smem:$0x3FAF]  }
0x31: {  	[smem:$0x3FB8] =	sst s10  }
0x32: {  	s10 =	sld [smem:$0x3FB6];
	_ =	sdelay $0x3  }
0x33: {  	p0 =	seq.s32 s10, $0x1;
	s10 =	sld [smem:$0x3FB8];
	_ =	sdelay $0x3  }
0x34: {  	[smem:$0x3FB8] =	sst s10  }
0x35: {  	s10 =	sld [smem:$0x3FB7];
	_ =	sdelay $0x3  }
0x36: {  	p1 =	seq.s32 s10, $0x1;
	s10 =	sld [smem:$0x3FB8];
	_ =	sdelay $0x3  }
0x37: {  	[smem:$0x3FB8] =	sst s10  }
0x38: {  	s10 =	sld [smem:$0x3FB9]  }
0x39: {  	_ = 	snop;
	(pc) =	sbr.ind lr, $3  }
0x3a: {  	_ = 	snop  }
0x3b: {  	_ = 	snop  }
0x3c: {  	p2 =	seq.s32 s10, $0x1;
	s10 =	sld [smem:$0x3FB8]  }
0x3d: {  	_ =	shalt  }
0x3e: {  	_ =	shalt  }
0x3f: {  	_ =	shalt  }
0x40: {  	_ =	shalt  }
0x41: {  	_ =	shalt  }
0x42: {  	_ =	shalt  }
0x43: {  	_ =	shalt  }
0x44: {  	_ =	shalt  }
0x45: {  	_ =	shalt  }
0x46: {  	_ =	shalt  }
0x47: {  	_ =	shalt  }
0x48: {  	_ =	shalt  }
0x49: {  	_ =	shalt  }
0x4a: {  	_ =	shalt  }
0x4b: {  	_ =	shalt  }
0x4c: {  	_ =	shalt  }
0x4d: {  	_ =	shalt  }
0x4e: {  	_ =	shalt  }
0x4f: {  	_ =	shalt  }
0x50: {  	_ =	shalt  }
0x51: {  	_ =	shalt  }
0x52: {  	_ =	shalt  }
0x53: {  	_ =	shalt  }
0x54: {  	_ =	shalt  }
0x55: {  	_ =	shalt  }
0x56: {  	_ =	shalt  }
0x57: {  	_ =	shalt  }
0x58: {  	_ =	shalt  }
0x59: {  	_ =	shalt  }
0x5a: {  	_ =	shalt  }
0x5b: {  	_ =	shalt  }
0x5c: {  	_ =	shalt  }
0x5d: {  	_ =	shalt  }
0x5e: {  	_ =	shalt  }
0x5f: {  	_ =	shalt  }
0x60: {  	_ =	shalt  }
0x61: {  	_ =	shalt  }
0x62: {  	_ =	shalt  }
0x63: {  	_ =	shalt  }
0x64: {  	_ =	shalt  }
0x65: {  	_ =	shalt  }
0x66: {  	_ =	shalt  }
0x67: {  	_ =	shalt  }
0x68: {  	_ =	shalt  }
0x69: {  	_ =	shalt  }
0x6a: {  	_ =	shalt  }
0x6b: {  	_ =	shalt  }
0x6c: {  	_ =	shalt  }
0x6d: {  	_ =	shalt  }
0x6e: {  	_ =	shalt  }
0x6f: {  	_ =	shalt  }
0x70: {  	_ =	shalt  }
0x71: {  	_ =	shalt  }
0x72: {  	_ =	shalt  }
0x73: {  	_ =	shalt  }
0x74: {  	_ =	shalt  }
0x75: {  	_ =	shalt  }
0x76: {  	_ =	shalt  }
0x77: {  	_ =	shalt  }
0x78: {  	_ =	shalt  }
0x79: {  	_ =	shalt  }
0x7a: {  	_ =	shalt  }
0x7b: {  	_ =	shalt  }
0x7c: {  	_ =	shalt  }
0x7d: {  	_ =	shalt  }
0x7e: {  	_ =	shalt  }
0x7f: {  	_ =	shalt  }
0x80: {  	_ =	shalt  }
0x81: {  	_ =	shalt  }
0x82: {  	_ =	shalt  }
0x83: {  	_ =	shalt  }
0x84: {  	_ =	shalt  }
0x85: {  	_ =	shalt  }
0x86: {  	_ =	shalt  }
0x87: {  	_ =	shalt  }
.Lfunc_end0:
.L_simem_size_0:
called_computation_lowered:
.L_overlay_start_0:
0x88: {  	s2 =	sld [smem:$0x3FD9]  }
0x89: {  	s3 =	sld [smem:$0x3FFE];
	_ =	sdelay $0x1  }
0x8a: {  	s1 =	srdreg.scid  }
0x8b: {  	s0 =	sand.u32 $0x1, s1  }
0x8c: {  	s17 =	sshll.u32 s0, $0xA;
	s2 =	sadd.s32 s3, s2  }
0x8d: {  	s2 =	sadd.s32 s2, s17  }
0x8e: {  	[smem:$0x3FC4] =	sst s2  }
0x8f: {  	_ = 	snop  }
0x90: {  	s2 =	sld [smem:$0x3FD0];
	(tm) =	ssettm $0x1  }
0x91: {  	s18 =	sld [smem:$0x3FFB];
	_ =	sdelay $0x3  }
0x92: {  	_ =	strace s18  }
0x93: {  	s3 =	sld [smem:$0x3FFC];
	_ =	sdelay $0x3  }
0x94: {  	_ =	strace s3  }
0x95: {  	s3 =	sld [smem:$0x3FFD];
	_ =	sdelay $0x3  }
0x96: {  	_ =	strace s3  }
0x97: {  	_ =	strace $0x8FFFFFFF  }
0x98: {  	s19 =	sld [smem:$0x3FDB];
	_ =	sdelay $0x1  }
0x99: {  	s4 =	simm.s32 $_scs_section_size  }
0x9a: {  	s5 =	simm.s32 $_size__tile_overlayer_lowered;
	s6 =	simm.s32 $_tile_overlayer_lowered  }
0x9b: {  	s22 =	simm.s32 $0x1BFF;
	s21 =	sshll.u32 s6, $0x1;
	s3 =	sadd.s32 s4, s19  }
0x9c: {  	s7 =	simm.s32 $0x0;
	s20 =	sshll.u32 s5, $0x1;
	s5 =	sadd.s32 s21, s3  }
0x9d: {  	[timem:s7], [sflag:s22] =	dma.local [hbm:s5], s20  }
0x9e: {  	_ =	swait.ge [sflag:s22], s20  }
0x9f: {  	s4 =	ssub.s32 $0x0, s20;
	[sflag:s22] =	ssyncset.done $0x0  }
0xa0: {  	[sflag:s22] =	ssyncadd.s32 s4;
	_ =	sdelay $0x1  }
0xa1: {  	s23 =	simm.s32 $0x1B8B  }
0xa2: {  	_ =	swait.ge [sflag:s23], $0x1  }
0xa3: {  	[sflag:s23] =	ssyncset.done $0x0  }
0xa4: {  	s25 =	simm.s32 $0x1B8E;
	s24 =	sld [smem:$0x3FFE];
	[sflag:s23] =	ssyncadd.s32 $0xFFFFFFFF  }
0xa5: {  	s26 =	simm.s32 $execute0_lowered;
	[smem:$0x3FD2] =	sst s25  }
0xa6: {  	s5 =	sshll.u32 s26, $0x1;
	_ =	strace $0x80000046;
	[dreg:$0x1] =	wrdreg $0xFFFFFFFF  }
0xa7: {  	s28 =	simm.s32 $_size_execute0_lowered;
	s3 =	sadd.s32 s3, s5;
	[dreg:$0x0] =	wrdreg $0x0  }
0xa8: {  	s5 =	sshll.u32 s28, $0x1;
	[dreg:$0x2] =	wrdreg s3  }
0xa9: {  	[dreg:$0x3] =	wrdreg s5  }
0xaa: {  	[dreg:$0x4] =	wrdreg $0xC0  }
0xab: {  	_ =	task [dreg:s7], $0x5FFFF  }
0xac: {  	[dreg:$0x1] =	wrdreg $0xFFFFFFFF  }
0xad: {  	[dreg:$0x0] =	wrdreg $0x60  }
0xae: {  	[dreg:$0x2] =	wrdreg s2  }
0xaf: {  	[dreg:$0x3] =	wrdreg s24  }
0xb0: {  	[dreg:$0x4] =	wrdreg $0x9C000  }
0xb1: {  	[dreg:$0x5] =	wrdreg $0x9  }
0xb2: {  	_ =	task.clear_ibuf [dreg:s7], $0x6FFFF;
	_ =	strace $0x90000046  }
0xb3: {  	s29 =	simm.s32 $0x9;
	_ =	strace $0x80000048  }
0xb4: {  	_ =	swait.ge [sflag:s29], $0x1  }
0xb5: {  	[sflag:s29] =	ssyncadd.s32 $0xFFFFFFFF  }
0xb6: {  	_ =	strace $0x90000048  }
0xb7: {  	_ =	sfence  }
0xb8: {  	s30 =	sld [smem:$0x0];
	_ =	sdelay $0x2  }
0xb9: {  	s31 =	sshll.u32 s1, $0xD;
	s1 =	sshrl.u32 s1, $0x2  }
0xba: {  	s3 =	sand.u32 $0x4000, s31;
	s1 =	sadd.s32 s1, s30  }
0xbb: {  	s0 =	sor.u32 s3, s0;
	s1 =	sshll.u32 s1, $0x11  }
0xbc: {  	s0 =	sor.u32 s1, s0  }
0xbd: {  	s0 =	sadd.s32 $0x8F2B, s0  }
0xbe: {  	[sflag:s0] =	ssyncadd.remote.s32 $0x1  }
0xbf: {  	_ =	sfence.sel $0xFFFF  }
0xc0: {  	[dreg:$0x0] =	wrdreg $0xFFFFFFFF;
	(pc) =	sbr.abs _section_cstart, $3  }
0xc1: {  	[dreg:$0x1] =	wrdreg $0xFFFFFFFF  }
0xc2: {  	_ =	task.clear_ibuf [dreg:s7], $0x2FFFF;
	_ =	strace $0x9FFFFFFF  }
0xc3: {  	(tm) =	ssettm $0x7FFFFFFF  }
tec
execute0_lowered:
.L_overlay_start_1:
0x0: {  	(tag) =	ssettag $0x1  }
0x1: {  	s5 =	rddreg [dreg:$0x0]  }
0x2: {  	s4 =	rddreg [dreg:$0x1];
	s1 =	srdreg.scid  }
0x3: {  	s0 =	stileid.u32;
	s2 =	rddreg [dreg:$0x2]  }
0x4: {  	s3 =	simm.s32 $0x0;
	s13 =	simm.s32 $0x80;
	s14 =	simm.s32 $0x1400  }
0x5: {  	s15 =	simm.s32 $0x5400;
	s16 =	simm.s32 $0x1;
	s17 =	simm.s32 $0x9400  }
0x6: {  	s18 =	simm.s32 $0x2;
	s19 =	simm.s32 $0x4;
	s20 =	simm.s32 $0x9800  }
0x7: {  	s21 =	simm.s32 $0x3;
	s22 =	simm.s32 $0x0;
	s6 =	sand.u32 $0x1, s1  }
0x8: {  	s7 =	sshll.u32 s0, $0x1;
	s1 =	rddreg [dreg:$0x3];
	s9 =	smul.u32 $0x50000, s0  }
0x9: {  	[smem:$0x7FF] =	sst s3;
	s11 =	smul.u32 $0x2800, s0;
	s8 =	sor.u32 s6, s7  }
0xa: {  	s30 =	sshll.u32 s0, $0x6;
	s6 =	ssub.s32 $0x2, s6;
	s7 =	smul.u32 $0x280, s8  }
0xb: {  	_ =	strace $0x80000047;
	s10 =	sshrl.u32 s6, $0x1;
	s29 =	smul.u32 $0x1400, s8  }
.Ltmp0:
0xc: {  	s28 =	sshrl.u32 s9, $0x2;
	s5 =	sadd.s32 s5, s11;
	(pc) =	sbr.rel .LBB2_1-.Ltmp0, $4  }
0xd: {  	s8 =	smul.u32 $0xA000, s8;
	s10 =	ssub.s32 s6, s10;
	s12 =	sadd.s32 s28, s2  }
0xe: {  	s6 =	sor.u32 $0x1C05, s30;
	s7 =	sadd.s32 s7, s4;
	s4 =	sadd.s32 $0x6000, s4  }
0xf: {  	s9 =	smax.u32 s10, $0x1;
	s11 =	sshrl.u32 s12, $0x3;
	s31 =	sadd.s32 s29, s4  }
0x10: {  	s12 =	simm.s32 $0x5;
	s7 =	sadd.s32 $0x1000, s7;
	s10 =	sadd.s32 $0x80, s31  }
.LBB2_16:
0x11: {  	s22 =	sadd.s32 $0x1, s22  }
0x12: {  	_ =	swait.ge [sflag:s21], $0x400;
	p0 =	sne.s32 s22, s9  }
.Ltmp1:
0x13: {  	[sflag:s21] =	ssyncset.done $0x0;
	(pc) =	sbr.rel @!p0 .LBB2_17-.Ltmp1, $4  }
0x14: {  	[sflag:s21] =	ssyncadd.s32 $0xFFFFFC00  }
0x15: {  	_ =	swait.ge [sflag:s19], $0x400  }
0x16: {  	[sflag:s19] =	ssyncset.done $0x0  }
0x17: {  	[sflag:s19] =	ssyncadd.s32 $0xFFFFFC00  }
.LBB2_1:
0x18: {  	[spmem:s11], [sflag:s6] =	dma.local [hbm:s5], $0x2800  }
0x19: {  	_ =	swait.ge [sflag:s12], $0x2800  }
0x1a: {  	[sflag:s12] =	ssyncset.done $0x0  }
0x1b: {  	[sflag:s12] =	ssyncadd.s32 $0xFFFFD800  }
0x1c: {  	[tilespmem:s3], [sflag:$0x5] =	stream.linear.gather [hbm4b:s7+s3], $0x1400, $0x38;
	[tilespmem:$0x1DC00] =	vst v63  }
0x1d: {  	_ =	swait.ge [sflag:s12], $0x1400  }
0x1e: {  	[sflag:s12] =	ssyncset.done $0x0  }
0x1f: {  	[sflag:s12] =	ssyncadd.s32 $0xFFFFEC00  }
0x20: {  	[bflag:$0x0] =	sbarrier.arrive $0xFFFF  }
0x21: {  	[tilespmem:s14], [sflag:$0x1] =	stream.indirect.gather [spmem:s2], $0x80, s3, s13, $0xb8;
	[tilespmem:$0x1DC00] =	vst v63  }
0x22: {  	s23 =	simm.s32 $0x0  }
0x23: {  	[tilespmem:s15], [sflag:$0x2] =	stream.indirect.gather [spmem:s2], $0x80, s13, s13, $0xb8;
	[tilespmem:$0x1DC00] =	vst v63  }
.LBB2_2:
0x24: {  	_ =	swait.ge [sflag:s16], $0x4000  }
0x25: {  	p0 =	seq.s32 s23, $0x0;
	[sflag:s16] =	ssyncset.done $0x0  }
0x26: {  	s25 =	simm.s32 @!p0 $0x3;
	[sflag:s16] =	ssyncadd.s32 $0xFFFFC000  }
0x27: {  	_ =	swait.ge @!p0 [sflag:s25], $0x400  }
0x28: {  	s24 =	sshll.u32 s23, $0xA;
	s26 =	simm.s32 $0x9400;
	[sflag:s25] =	ssyncset.done @!p0 $0x0  }
0x29: {  	s28 =	simm.s32 $0x1800;
	[sflag:s25] =	ssyncadd.s32 @!p0 $0xFFFFFC00;
	s25 =	simm.s32 $0x0  }
.LBB2_3:
0x2a: {  	v1 =	vmov s28;
	_ =	sdelay $0x3  }
0x2b: {  	s29 =	simm.s32 $0x0  }
0x2c: {  	v2 =	vld.idx.msk [tilespmem:v1+s29+$0xFFFFFC80 ss:$0x1], $0xffff  }
0x2d: {  	v3 =	vld.idx.msk [tilespmem:v1+s29+$0xFFFFFC00 ss:$0x1], $0xffff  }
0x2e: {  	v4 =	vld.idx.msk [tilespmem:v1+s29+$0xFFFFFD00 ss:$0x1], $0xffff  }
0x2f: {  	v5 =	vld.idx.msk [tilespmem:v1+s29+$0xFFFFFD80 ss:$0x1], $0xffff  }
0x30: {  	v6 =	vld.idx.msk [tilespmem:v1+s29+$0xFFFFFE00 ss:$0x1], $0xffff  }
0x31: {  	v7 =	vld.idx.msk [tilespmem:v1+s29+$0xFFFFFE80 ss:$0x1], $0xffff  }
0x32: {  	v8 =	vld.idx.msk [tilespmem:v1+s29+$0xFFFFFF00 ss:$0x1], $0xffff  }
0x33: {  	v9 =	vld.idx.msk [tilespmem:v1+s29+$0xFFFFFF80 ss:$0x1], $0xffff  }
0x34: {  	v10 =	vld.idx.msk [tilespmem:v1+s29+$0x0 ss:$0x1], $0xffff  }
0x35: {  	v11 =	vld.idx.msk [tilespmem:v1+s29+$0x80 ss:$0x1], $0xffff  }
0x36: {  	v12 =	vld.idx.msk [tilespmem:v1+s29+$0x100 ss:$0x1], $0xffff  }
0x37: {  	v13 =	vld.idx.msk [tilespmem:v1+s29+$0x180 ss:$0x1], $0xffff  }
0x38: {  	v14 =	vld.idx.msk [tilespmem:v1+s29+$0x200 ss:$0x1], $0xffff  }
0x39: {  	v15 =	vld.idx.msk [tilespmem:v1+s29+$0x280 ss:$0x1], $0xffff  }
0x3a: {  	v0 =	vmov s26;
	s30 =	simm.s32 $0x40;
	v16 =	vld.idx.msk [tilespmem:v1+s29+$0x300 ss:$0x1], $0xffff  }
.LBB2_4:
0x3b: {  	p1 =	sne.s32 s30, $0x1C0;
	v17 =	vld.idx.msk [tilespmem:v1+s29+$0x380 ss:$0x1], $0xffff;
	_ =	sdelay $0x2  }
0x3c: {  	v2 =	vadd.bf16 v2, v3;
	v3 =	vadd.bf16 v5, v4  }
0x3d: {  	v4 =	vadd.bf16 v7, v6;
	v5 =	vadd.bf16 v9, v8  }
0x3e: {  	v6 =	vadd.bf16 v11, v10;
	v7 =	vadd.bf16 v13, v12  }
0x3f: {  	v8 =	vadd.bf16 v15, v14;
	v9 =	vadd.bf16 v17, v16  }
0x40: {  	v2 =	vadd.bf16 v3, v2;
	v3 =	vadd.bf16 v5, v4  }
0x41: {  	v4 =	vadd.bf16 v7, v6;
	v5 =	vadd.bf16 v9, v8;
	_ =	sdelay $0x1  }
0x42: {  	v2 =	vadd.bf16 v3, v2;
	v3 =	vadd.bf16 v5, v4;
	_ =	sdelay $0x1  }
0x43: {  	v2 =	vadd.bf16 v3, v2;
	_ =	sdelay $0x1  }
0x44: {  	[tilespmem:v0+s29+$0x0 ss:$0x1] =	vst.idx.msk $0xffff, v2;
	s29 =	sshra.s32 s30, $0x2  }
0x45: {  	v2 =	vld.idx.msk [tilespmem:v1+s29+$0xFFFFFC80 ss:$0x1], $0xffff  }
0x46: {  	v3 =	vld.idx.msk [tilespmem:v1+s29+$0xFFFFFC00 ss:$0x1], $0xffff  }
0x47: {  	v4 =	vld.idx.msk [tilespmem:v1+s29+$0xFFFFFD00 ss:$0x1], $0xffff  }
0x48: {  	v5 =	vld.idx.msk [tilespmem:v1+s29+$0xFFFFFD80 ss:$0x1], $0xffff  }
0x49: {  	v6 =	vld.idx.msk [tilespmem:v1+s29+$0xFFFFFE00 ss:$0x1], $0xffff  }
0x4a: {  	v7 =	vld.idx.msk [tilespmem:v1+s29+$0xFFFFFE80 ss:$0x1], $0xffff  }
0x4b: {  	v8 =	vld.idx.msk [tilespmem:v1+s29+$0xFFFFFF00 ss:$0x1], $0xffff  }
0x4c: {  	v9 =	vld.idx.msk [tilespmem:v1+s29+$0xFFFFFF80 ss:$0x1], $0xffff  }
0x4d: {  	v10 =	vld.idx.msk [tilespmem:v1+s29+$0x0 ss:$0x1], $0xffff  }
0x4e: {  	v11 =	vld.idx.msk [tilespmem:v1+s29+$0x80 ss:$0x1], $0xffff  }
.Ltmp2:
0x4f: {  	v12 =	vld.idx.msk [tilespmem:v1+s29+$0x100 ss:$0x1], $0xffff;
	(pc) =	sbr.rel @p1 .LBB2_4-.Ltmp2, $4  }
0x50: {  	v13 =	vld.idx.msk [tilespmem:v1+s29+$0x180 ss:$0x1], $0xffff  }
0x51: {  	v14 =	vld.idx.msk [tilespmem:v1+s29+$0x200 ss:$0x1], $0xffff  }
0x52: {  	v15 =	vld.idx.msk [tilespmem:v1+s29+$0x280 ss:$0x1], $0xffff  }
0x53: {  	s30 =	sadd.s32 $0x40, s30;
	v16 =	vld.idx.msk [tilespmem:v1+s29+$0x300 ss:$0x1], $0xffff  }
0x54: {  	_ =	sdelay $0x3  }
0x55: {  	v1 =	vld.idx.msk [tilespmem:v1+s29+$0x380 ss:$0x1], $0xffff;
	_ =	sdelay $0x1  }
0x56: {  	v2 =	vadd.bf16 v2, v3;
	v56 =	vadd.bf16 v5, v4  }
0x57: {  	v57 =	vadd.bf16 v7, v6;
	v58 =	vadd.bf16 v9, v8  }
0x58: {  	v59 =	vadd.bf16 v11, v10;
	v60 =	vadd.bf16 v13, v12  }
0x59: {  	v61 =	vadd.bf16 v15, v14;
	v1 =	vadd.bf16 v1, v16  }
0x5a: {  	v2 =	vadd.bf16 v56, v2;
	v62 =	vadd.bf16 v58, v57  }
0x5b: {  	s25 =	sadd.s32 $0x1, s25;
	v63 =	vadd.bf16 v60, v59;
	v1 =	vadd.bf16 v1, v61  }
0x5c: {  	p1 =	sne.s32 s25, $0x8  }
.Ltmp3:
0x5d: {  	v2 =	vadd.bf16 v62, v2;
	v1 =	vadd.bf16 v1, v63;
	(pc) =	sbr.rel @p1 .LBB2_3-.Ltmp3, $3  }
0x5e: {  	_ = 	snop  }
0x5f: {  	v1 =	vadd.bf16 v1, v2;
	_ =	sdelay $0x1  }
0x60: {  	s26 =	sadd.s32 $0x80, s26;
	s28 =	sadd.s32 $0x800, s28;
	[tilespmem:v0+s29+$0x0 ss:$0x1] =	vst.idx.msk $0xffff, v1  }
0x61: {  	p1 =	sne.s32 s23, $0x13  }
.Ltmp4:
0x62: {  	s25 =	sshll.u32 s23, $0xB;
	(pc) =	sbr.rel @p1 .LBB2_8-.Ltmp4, $4  }
0x63: {  	s25 =	sadd.s32 s8, s25  }
0x64: {  	s25 =	sshrl.u32 s25, $0x3  }
0x65: {  	s25 =	sadd.s32 s4, s25  }
0x66: {  	[hbm4b:s25+s3] =	stream.linear.scatter [tilespmem:s17], [sflag:$0x3], $0x400, $0x38;
	[tilespmem:$0x1DC00] =	vst v63  }
.Ltmp5:
0x67: {  	(pc) =	sbr.rel .LBB2_9-.Ltmp5, $4  }
0x68: {  	_ = 	snop  }
0x69: {  	_ =	swait.ge [sflag:s18], $0x4000  }
0x6a: {  	[sflag:s18] =	ssyncset.done $0x0  }
0x6b: {  	[sflag:s18] =	ssyncadd.s32 $0xFFFFC000  }
.LBB2_8:
0x6c: {  	s25 =	sshrl.u32 s24, $0x2  }
.Ltmp6:
0x6d: {  	s25 =	sadd.s32 $0x100, s25;
	(pc) =	sbr.rel @p0 .LBB2_10-.Ltmp6, $4  }
0x6e: {  	[tilespmem:s14], [sflag:$0x1] =	stream.indirect.gather [spmem:s2], $0x80, s25, s13, $0xb8;
	[tilespmem:$0x1DC00] =	vst v63  }
0x6f: {  	_ =	swait.ge [sflag:s18], $0x4000  }
0x70: {  	[sflag:s18] =	ssyncset.done $0x0  }
0x71: {  	[sflag:s18] =	ssyncadd.s32 $0xFFFFC000  }
.LBB2_9:
0x72: {  	_ =	swait.ge [sflag:s19], $0x400  }
0x73: {  	[sflag:s19] =	ssyncset.done $0x0  }
0x74: {  	[sflag:s19] =	ssyncadd.s32 $0xFFFFFC00  }
.LBB2_10:
0x75: {  	s25 =	simm.s32 $0x0;
	s26 =	simm.s32 $0x1400;
	s28 =	simm.s32 $0x9800  }
.LBB2_11:
0x76: {  	v1 =	vmov s26;
	_ =	sdelay $0x3  }
0x77: {  	s29 =	simm.s32 $0x0  }
0x78: {  	v2 =	vld.idx.msk [tilespmem:v1+s29+$0x4080 ss:$0x1], $0xffff  }
0x79: {  	v3 =	vld.idx.msk [tilespmem:v1+s29+$0x4000 ss:$0x1], $0xffff  }
0x7a: {  	v4 =	vld.idx.msk [tilespmem:v1+s29+$0x4100 ss:$0x1], $0xffff  }
0x7b: {  	v5 =	vld.idx.msk [tilespmem:v1+s29+$0x4180 ss:$0x1], $0xffff  }
0x7c: {  	v6 =	vld.idx.msk [tilespmem:v1+s29+$0x4200 ss:$0x1], $0xffff  }
0x7d: {  	v7 =	vld.idx.msk [tilespmem:v1+s29+$0x4280 ss:$0x1], $0xffff  }
0x7e: {  	v8 =	vld.idx.msk [tilespmem:v1+s29+$0x4300 ss:$0x1], $0xffff  }
0x7f: {  	v9 =	vld.idx.msk [tilespmem:v1+s29+$0x4380 ss:$0x1], $0xffff  }
0x80: {  	v10 =	vld.idx.msk [tilespmem:v1+s29+$0x4400 ss:$0x1], $0xffff  }
0x81: {  	v11 =	vld.idx.msk [tilespmem:v1+s29+$0x4480 ss:$0x1], $0xffff  }
0x82: {  	v12 =	vld.idx.msk [tilespmem:v1+s29+$0x4500 ss:$0x1], $0xffff  }
0x83: {  	v13 =	vld.idx.msk [tilespmem:v1+s29+$0x4580 ss:$0x1], $0xffff  }
0x84: {  	v14 =	vld.idx.msk [tilespmem:v1+s29+$0x4600 ss:$0x1], $0xffff  }
0x85: {  	v15 =	vld.idx.msk [tilespmem:v1+s29+$0x4680 ss:$0x1], $0xffff  }
0x86: {  	v0 =	vmov s28;
	s30 =	simm.s32 $0x40;
	v16 =	vld.idx.msk [tilespmem:v1+s29+$0x4700 ss:$0x1], $0xffff  }
.LBB2_12:
0x87: {  	p0 =	sne.s32 s30, $0x1C0;
	v17 =	vld.idx.msk [tilespmem:v1+s29+$0x4780 ss:$0x1], $0xffff;
	_ =	sdelay $0x2  }
0x88: {  	v2 =	vadd.bf16 v2, v3;
	v3 =	vadd.bf16 v5, v4  }
0x89: {  	v4 =	vadd.bf16 v7, v6;
	v5 =	vadd.bf16 v9, v8  }
0x8a: {  	v6 =	vadd.bf16 v11, v10;
	v7 =	vadd.bf16 v13, v12  }
0x8b: {  	v8 =	vadd.bf16 v15, v14;
	v9 =	vadd.bf16 v17, v16  }
0x8c: {  	v2 =	vadd.bf16 v3, v2;
	v3 =	vadd.bf16 v5, v4  }
0x8d: {  	v4 =	vadd.bf16 v7, v6;
	v5 =	vadd.bf16 v9, v8;
	_ =	sdelay $0x1  }
0x8e: {  	v2 =	vadd.bf16 v3, v2;
	v3 =	vadd.bf16 v5, v4;
	_ =	sdelay $0x1  }
0x8f: {  	v2 =	vadd.bf16 v3, v2;
	_ =	sdelay $0x1  }
0x90: {  	[tilespmem:v0+s29+$0x0 ss:$0x1] =	vst.idx.msk $0xffff, v2;
	s29 =	sshra.s32 s30, $0x2  }
0x91: {  	v2 =	vld.idx.msk [tilespmem:v1+s29+$0x4080 ss:$0x1], $0xffff  }
0x92: {  	v3 =	vld.idx.msk [tilespmem:v1+s29+$0x4000 ss:$0x1], $0xffff  }
0x93: {  	v4 =	vld.idx.msk [tilespmem:v1+s29+$0x4100 ss:$0x1], $0xffff  }
0x94: {  	v5 =	vld.idx.msk [tilespmem:v1+s29+$0x4180 ss:$0x1], $0xffff  }
0x95: {  	v6 =	vld.idx.msk [tilespmem:v1+s29+$0x4200 ss:$0x1], $0xffff  }
0x96: {  	v7 =	vld.idx.msk [tilespmem:v1+s29+$0x4280 ss:$0x1], $0xffff  }
0x97: {  	v8 =	vld.idx.msk [tilespmem:v1+s29+$0x4300 ss:$0x1], $0xffff  }
0x98: {  	v9 =	vld.idx.msk [tilespmem:v1+s29+$0x4380 ss:$0x1], $0xffff  }
0x99: {  	v10 =	vld.idx.msk [tilespmem:v1+s29+$0x4400 ss:$0x1], $0xffff  }
0x9a: {  	v11 =	vld.idx.msk [tilespmem:v1+s29+$0x4480 ss:$0x1], $0xffff  }
.Ltmp7:
0x9b: {  	v12 =	vld.idx.msk [tilespmem:v1+s29+$0x4500 ss:$0x1], $0xffff;
	(pc) =	sbr.rel @p0 .LBB2_12-.Ltmp7, $4  }
0x9c: {  	v13 =	vld.idx.msk [tilespmem:v1+s29+$0x4580 ss:$0x1], $0xffff  }
0x9d: {  	v14 =	vld.idx.msk [tilespmem:v1+s29+$0x4600 ss:$0x1], $0xffff  }
0x9e: {  	v15 =	vld.idx.msk [tilespmem:v1+s29+$0x4680 ss:$0x1], $0xffff  }
0x9f: {  	s30 =	sadd.s32 $0x40, s30;
	v16 =	vld.idx.msk [tilespmem:v1+s29+$0x4700 ss:$0x1], $0xffff  }
0xa0: {  	_ =	sdelay $0x3  }
0xa1: {  	v1 =	vld.idx.msk [tilespmem:v1+s29+$0x4780 ss:$0x1], $0xffff;
	_ =	sdelay $0x1  }
0xa2: {  	v2 =	vadd.bf16 v2, v3;
	v56 =	vadd.bf16 v5, v4  }
0xa3: {  	v57 =	vadd.bf16 v7, v6;
	v58 =	vadd.bf16 v9, v8  }
0xa4: {  	v59 =	vadd.bf16 v11, v10;
	v60 =	vadd.bf16 v13, v12  }
0xa5: {  	v61 =	vadd.bf16 v15, v14;
	v1 =	vadd.bf16 v1, v16  }
0xa6: {  	v2 =	vadd.bf16 v56, v2;
	v62 =	vadd.bf16 v58, v57  }
0xa7: {  	s25 =	sadd.s32 $0x1, s25;
	v63 =	vadd.bf16 v60, v59;
	v1 =	vadd.bf16 v1, v61  }
0xa8: {  	p0 =	sne.s32 s25, $0x8  }
.Ltmp8:
0xa9: {  	v2 =	vadd.bf16 v62, v2;
	v1 =	vadd.bf16 v1, v63;
	(pc) =	sbr.rel @p0 .LBB2_11-.Ltmp8, $3  }
0xaa: {  	_ = 	snop  }
0xab: {  	v1 =	vadd.bf16 v1, v2;
	_ =	sdelay $0x1  }
0xac: {  	s26 =	sadd.s32 $0x800, s26;
	s28 =	sadd.s32 $0x80, s28;
	[tilespmem:v0+s29+$0x0 ss:$0x1] =	vst.idx.msk $0xffff, v1  }
0xad: {  	p0 =	seq.s32 s23, $0x13  }
.Ltmp9:
0xae: {  	_ = 	snop;
	(pc) =	sbr.rel @p0 .LBB2_16-.Ltmp9, $4  }
0xaf: {  	_ = 	snop  }
0xb0: {  	s25 =	sshll.u32 s23, $0x8  }
0xb1: {  	s25 =	sadd.s32 s10, s25  }
0xb2: {  	[hbm4b:s25+s3] =	stream.linear.scatter [tilespmem:s20], [sflag:$0x4], $0x400, $0x38;
	[tilespmem:$0x1DC00] =	vst v63  }
.Ltmp10:
0xb3: {  	(pc) =	sbr.rel .LBB2_2-.Ltmp10, $4  }
0xb4: {  	_ = 	snop  }
0xb5: {  	s24 =	sshrl.u32 s24, $0x2  }
0xb6: {  	s23 =	sadd.s32 $0x1, s23;
	s24 =	sadd.s32 $0x180, s24  }
0xb7: {  	[tilespmem:s15], [sflag:$0x2] =	stream.indirect.gather [spmem:s2], $0x80, s24, s13, $0xb8;
	[tilespmem:$0x1DC00] =	vst v63  }
.LBB2_17:
0xb8: {  	_ =	sfence.sel $0x180000  }
0xb9: {  	[bflag:$0x0] =	sbarrier.arrive $0xFFFF  }
0xba: {  	p0 =	sne.s32 s0, $0x0;
	_ =	strace $0x90000047  }
0xbb: {  	s0 =	sadd.s32 @!p0 $0x100000, s1;
	[bflag:$0x2] =	sbarrier.arrive $0xFFFF  }
0xbc: {  	[sflag:s0] =	ssyncadd.tile.s32 @!p0 $0x1;
	_ =	shalt  }
.Lfunc_end2:
_tile_overlayer_lowered:
.L_overlay_start_2:
0xbd: {  	(tag) =	ssettag $0x2  }
0xbe: {  	s0 =	rddreg [dreg:$0x0];
	s2 =	stileid.u32  }
0xbf: {  	s1 =	rddreg [dreg:$0x1];
	p0 =	sne.s32 s2, $0x0  }
0xc0: {  	s3 =	rddreg [dreg:$0x2];
	[bflag:$0x3] =	sbarrier.arrive $0xFFFF;
	s2 =	simm.s32 @!p0 $0x1C05  }
0xc1: {  	[timem:s3], [sflag:s2] =	dma.local @!p0 [hbm:s0], s1  }
0xc2: {  	s0 =	simm.s32 @!p0 $0x5  }
0xc3: {  	_ =	swait.ge @!p0 [sflag:s0], s1  }
0xc4: {  	s1 =	ssub.s32 @!p0 $0x0, s1;
	[sflag:s0] =	ssyncset.done @!p0 $0x0  }
0xc5: {  	[sflag:s0] =	ssyncadd.s32 @!p0 s1  }
0xc6: {  	[bflag:$0x3] =	sbarrier.arrive $0xFFFF  }
0xc7: {  	_ =	shalt  }

</sc_bundles>
